<compile_context>
chip_gen: v7x
topology: tpu7x:2x2x1
jax: 0.10.2.dev20260603
libtpu: 0.0.44.dev20260713+nightly
codegen_flags: <defaults>
</compile_context>

<pallas_src>
import functools

import jax
import jax.numpy as jnp
from jax import lax
from jax.experimental import pallas as pl
from jax.experimental.pallas import tpu as pltpu
from jax.experimental.pallas import tpu_sc as plsc

_N = 10000
_E = 160000
_D = 256
_NW = 32
_C = 120
_S0 = 64
_S1 = _C - _S0
_CPW = 45
_LAST = _N + _E - _C


@functools.partial(
    pl.kernel,
    mesh=plsc.VectorSubcoreMesh(core_axis_name="c", subcore_axis_name="s"),
    out_type=jax.ShapeDtypeStruct((_N + _E, _D), jnp.float32),
    scratch_types=[
        pltpu.VMEM((2 * _C,), jnp.int32),
        pltpu.VMEM((2 * _C,), jnp.int32),
        pltpu.VMEM((_C, _D), jnp.float32),
        pltpu.VMEM((_C, _D), jnp.float32),
        pltpu.VMEM((_C, _D), jnp.float32),
        pltpu.VMEM((_C, _D), jnp.float32),
        pltpu.SemaphoreType.DMA,
        pltpu.SemaphoreType.DMA,
        pltpu.SemaphoreType.DMA,
        pltpu.SemaphoreType.DMA,
        pltpu.SemaphoreType.DMA,
        pltpu.SemaphoreType.DMA,
    ],
)
def _unpool_kernel(table, idx0, idx1, out, idxa, idxb,
                   rows0a, rows1a, rows0b, rows1b,
                   isema, isemb, gsema, gsemb, ssema, ssemb):
    w = lax.axis_index("s") * 2 + lax.axis_index("c")

    sets = ((idxa, rows0a, rows1a, isema, gsema, ssema),
            (idxb, rows0b, rows1b, isemb, gsemb, ssemb))

    def chunk_base(g):
        cid = w + g * _NW
        return jnp.minimum(cid * _C, _LAST)

    def idxload(b, g):
        idxv, _, _, isem, _, _ = sets[b]
        base = chunk_base(g)
        c0 = pltpu.make_async_copy(
            idx0.at[pl.ds(base, _C)], idxv.at[pl.ds(0, _C)], isem)
        c1 = pltpu.make_async_copy(
            idx1.at[pl.ds(base, _C)], idxv.at[pl.ds(_C, _C)], isem)
        return c0, c1

    def gathers(b):
        idxv, rows0, rows1, _, gsem, _ = sets[b]
        return (
            pltpu.make_async_copy(
                table.at[idxv.at[pl.ds(0, _S0)]],
                rows0.at[pl.ds(0, _S0)], gsem),
            pltpu.make_async_copy(
                table.at[idxv.at[pl.ds(_S0, _S1)]],
                rows0.at[pl.ds(_S0, _S1)], gsem),
            pltpu.make_async_copy(
                table.at[idxv.at[pl.ds(_C, _S0)]],
                rows1.at[pl.ds(0, _S0)], gsem),
            pltpu.make_async_copy(
                table.at[idxv.at[pl.ds(_C + _S0, _S1)]],
                rows1.at[pl.ds(_S0, _S1)], gsem),
        )

    def lincopy(b, g):
        _, rows0, _, _, gsem, _ = sets[b]
        return pltpu.make_async_copy(
            table.at[pl.ds(chunk_base(g), _C)], rows0, gsem)

    def is_orig(g):
        return chunk_base(g) + _C <= _N

    def fetch_start(b, g):
        @pl.when(is_orig(g))
        def _():
            lincopy(b, g).start()

        @pl.when(jnp.logical_not(is_orig(g)))
        def _():
            for c in gathers(b):
                c.start()

    def fetch_wait(b, g):
        @pl.when(is_orig(g))
        def _():
            lincopy(b, g).wait()

        @pl.when(jnp.logical_not(is_orig(g)))
        def _():
            for c in gathers(b):
                c.wait()

    def store(b, g):
        _, rows0, _, _, _, ssem = sets[b]
        return pltpu.make_async_copy(
            rows0, out.at[pl.ds(chunk_base(g), _C)], ssem)

    for b in range(2):
        i0, i1 = idxload(b, b)
        i0.start()
        i1.start()
    for b in range(2):
        i0, i1 = idxload(b, b)
        i0.wait()
        i1.wait()
        fetch_start(b, b)

    def chunk_step(g, carry):
        for b in range(2):
            @pl.when(g % 2 == b)
            def _():
                _, rows0, rows1, _, _, _ = sets[b]
                fetch_wait(b, g)

                @pl.when(g + 2 < _CPW)
                def _():
                    i0, i1 = idxload(b, g + 2)
                    i0.start()
                    i1.start()

                @pl.when(jnp.logical_not(is_orig(g)))
                def _():
                    def row(r, c2):
                        for j in range(_D // 16):
                            sl = pl.ds(j * 16, 16)
                            rows0[r, sl] = (rows0[r, sl]
                                            + rows1[r, sl]) * 0.5
                        return c2

                    lax.fori_loop(0, _C, row, 0)

                store(b, g).start()

                @pl.when(g + 2 < _CPW)
                def _():
                    store(b, g).wait()
                    i0, i1 = idxload(b, g + 2)
                    i0.wait()
                    i1.wait()
                    fetch_start(b, g + 2)
        return carry

    lax.fori_loop(0, _CPW, chunk_step, 0)

    store(0, 0).wait()
    store(1, 0).wait()


def kernel(inputs, unpool_idx):
    table = inputs.reshape(_N, _D)
    idx = unpool_idx.astype(jnp.int32)
    self_ids = jnp.arange(_N, dtype=jnp.int32)
    idx0 = jnp.concatenate([self_ids, idx[:, 0]])
    idx1 = jnp.concatenate([self_ids, idx[:, 1]])
    out = _unpool_kernel(table, idx0, idx1)
    return out[None]

# --- scband reference (transcript-rebuilt; emitter-appended) ---
"""Pipeline reference for scband-gunpooling-21818433864156 (READ-ONLY COPY).

The authoritative reference and input builder live on the scoring server;
editing this copy changes nothing except your own understanding.
"""

import jax, jax.numpy as jnp
import numpy as np


def setup_inputs(seed: int = 0) -> dict:
    key = jax.random.key(seed)
    k1, k2 = jax.random.split(key)
    inputs = jax.random.normal(k1, (1, 10000, 256), dtype=jnp.float32)
    unpool_idx = jax.random.randint(k2, (160000, 2), 0, 10000, dtype=jnp.int64)
    return {"inputs": inputs, "unpool_idx": unpool_idx}


def reference(inputs, unpool_idx):
    # gather both endpoints of each edge: [B, E, 2, d]
    new_features = inputs[:, unpool_idx, :]
    # midpoint feature = average of the two edge vertices: [B, E, d]
    new_vertices = new_features.sum(axis=2) / 2.0
    # append new vertices to the graph: [B, N+E, d]
    output = jnp.concatenate([inputs, new_vertices], axis=1)
    return output

if __name__ == "__main__":
    import jax
    _d = setup_inputs()
    print(jax.jit(kernel)(*tuple(_d.values())))

</pallas_src>

<mosaic_0001>
#map = affine_map<(d0, d1) -> (0, 0)>
#map1 = affine_map<(d0, d1) -> (0)>
module attributes {stable_mosaic.version = 14 : i64} {
  func.func @_unpool_kernel(%arg0: i32, %arg1: i32, %arg2: memref<10000x256xf32, #tpu.memory_space<hbm>>, %arg3: memref<170000xi32, #tpu.memory_space<hbm>>, %arg4: memref<170000xi32, #tpu.memory_space<hbm>>, %arg5: memref<170000x256xf32, #tpu.memory_space<hbm>>, %arg6: memref<240xi32, #tpu.memory_space<vmem>>, %arg7: memref<240xi32, #tpu.memory_space<vmem>>, %arg8: memref<120x256xf32, #tpu.memory_space<vmem>>, %arg9: memref<120x256xf32, #tpu.memory_space<vmem>>, %arg10: memref<120x256xf32, #tpu.memory_space<vmem>>, %arg11: memref<120x256xf32, #tpu.memory_space<vmem>>, %arg12: memref<!tpu.dma_semaphore, #tpu.memory_space<semaphore_mem>>, %arg13: memref<!tpu.dma_semaphore, #tpu.memory_space<semaphore_mem>>, %arg14: memref<!tpu.dma_semaphore, #tpu.memory_space<semaphore_mem>>, %arg15: memref<!tpu.dma_semaphore, #tpu.memory_space<semaphore_mem>>, %arg16: memref<!tpu.dma_semaphore, #tpu.memory_space<semaphore_mem>>, %arg17: memref<!tpu.dma_semaphore, #tpu.memory_space<semaphore_mem>>) attributes {dimension_semantics = [#tpu.dimension_semantics<core_parallel>, #tpu.dimension_semantics<subcore_parallel>], iteration_bounds = array<i64: 2, 16>, scalar_prefetch = 0 : i64, scratch_operands = 12 : i64, tpu.core_type = #tpu.core_type<sc_vector_subcore>, window_params = [{transform_indices = #map}, {transform_indices = #map1}, {transform_indices = #map1}, {transform_indices = #map}]} {
    %mul3A = arith.constant 2 : i32
    %mul3A_0 = arith.muli %arg1, %mul3A : i32
    %add3A = arith.addi %mul3A_0, %arg0 : i32
    %add3A_1 = arith.constant 0 : i32
    %add3A_2 = arith.addi %add3A, %add3A_1 : i32
    %mul3A_3 = arith.constant 120 : i32
    %mul3A_4 = arith.muli %add3A_2, %mul3A_3 : i32
    %min3A = arith.constant 169880 : i32
    %min3A_5 = arith.minsi %mul3A_4, %min3A : i32
    %dma_start3A = arith.constant 0 : i32
    %dma_start3A_6 = tpu.memref_slice %arg6[%dma_start3A] : memref<240xi32, #tpu.memory_space<vmem>> -> memref<120xi32, #tpu.memory_space<vmem>>
    %dma_start3A_7 = tpu.memref_slice %arg3[%min3A_5] : memref<170000xi32, #tpu.memory_space<hbm>> -> memref<120xi32, #tpu.memory_space<hbm>>
    %dma_start3A_8 = arith.constant 0 : i32
    %dma_start3A_9 = tpu.memref_slice %arg6[%dma_start3A_8] : memref<240xi32, #tpu.memory_space<vmem>> -> memref<120xi32, #tpu.memory_space<vmem>>
    %dma_start3A_10 = tpu.memref_slice %arg3[%min3A_5] : memref<170000xi32, #tpu.memory_space<hbm>> -> memref<120xi32, #tpu.memory_space<hbm>>
    tpu.enqueue_dma source(%dma_start3A_10 : memref<120xi32, #tpu.memory_space<hbm>>) target(%dma_start3A_9 : memref<120xi32, #tpu.memory_space<vmem>>) target_semaphore(%arg12 : memref<!tpu.dma_semaphore, #tpu.memory_space<semaphore_mem>>)
    %dma_start3A_11 = arith.constant 120 : i32
    %dma_start3A_12 = tpu.memref_slice %arg6[%dma_start3A_11] : memref<240xi32, #tpu.memory_space<vmem>> -> memref<120xi32, #tpu.memory_space<vmem>>
    %dma_start3A_13 = tpu.memref_slice %arg4[%min3A_5] : memref<170000xi32, #tpu.memory_space<hbm>> -> memref<120xi32, #tpu.memory_space<hbm>>
    %dma_start3A_14 = arith.constant 120 : i32
    %dma_start3A_15 = tpu.memref_slice %arg6[%dma_start3A_14] : memref<240xi32, #tpu.memory_space<vmem>> -> memref<120xi32, #tpu.memory_space<vmem>>
    %dma_start3A_16 = tpu.memref_slice %arg4[%min3A_5] : memref<170000xi32, #tpu.memory_space<hbm>> -> memref<120xi32, #tpu.memory_space<hbm>>
    tpu.enqueue_dma source(%dma_start3A_16 : memref<120xi32, #tpu.memory_space<hbm>>) target(%dma_start3A_15 : memref<120xi32, #tpu.memory_space<vmem>>) target_semaphore(%arg12 : memref<!tpu.dma_semaphore, #tpu.memory_space<semaphore_mem>>)
    %add3A_17 = arith.constant 32 : i32
    %add3A_18 = arith.addi %add3A, %add3A_17 : i32
    %mul3A_19 = arith.constant 120 : i32
    %mul3A_20 = arith.muli %add3A_18, %mul3A_19 : i32
    %min3A_21 = arith.constant 169880 : i32
    %min3A_22 = arith.minsi %mul3A_20, %min3A_21 : i32
    %dma_start3A_23 = arith.constant 0 : i32
    %dma_start3A_24 = tpu.memref_slice %arg7[%dma_start3A_23] : memref<240xi32, #tpu.memory_space<vmem>> -> memref<120xi32, #tpu.memory_space<vmem>>
    %dma_start3A_25 = tpu.memref_slice %arg3[%min3A_22] : memref<170000xi32, #tpu.memory_space<hbm>> -> memref<120xi32, #tpu.memory_space<hbm>>
    %dma_start3A_26 = arith.constant 0 : i32
    %dma_start3A_27 = tpu.memref_slice %arg7[%dma_start3A_26] : memref<240xi32, #tpu.memory_space<vmem>> -> memref<120xi32, #tpu.memory_space<vmem>>
    %dma_start3A_28 = tpu.memref_slice %arg3[%min3A_22] : memref<170000xi32, #tpu.memory_space<hbm>> -> memref<120xi32, #tpu.memory_space<hbm>>
    tpu.enqueue_dma source(%dma_start3A_28 : memref<120xi32, #tpu.memory_space<hbm>>) target(%dma_start3A_27 : memref<120xi32, #tpu.memory_space<vmem>>) target_semaphore(%arg13 : memref<!tpu.dma_semaphore, #tpu.memory_space<semaphore_mem>>)
    %dma_start3A_29 = arith.constant 120 : i32
    %dma_start3A_30 = tpu.memref_slice %arg7[%dma_start3A_29] : memref<240xi32, #tpu.memory_space<vmem>> -> memref<120xi32, #tpu.memory_space<vmem>>
    %dma_start3A_31 = tpu.memref_slice %arg4[%min3A_22] : memref<170000xi32, #tpu.memory_space<hbm>> -> memref<120xi32, #tpu.memory_space<hbm>>
    %dma_start3A_32 = arith.constant 120 : i32
    %dma_start3A_33 = tpu.memref_slice %arg7[%dma_start3A_32] : memref<240xi32, #tpu.memory_space<vmem>> -> memref<120xi32, #tpu.memory_space<vmem>>
    %dma_start3A_34 = tpu.memref_slice %arg4[%min3A_22] : memref<170000xi32, #tpu.memory_space<hbm>> -> memref<120xi32, #tpu.memory_space<hbm>>
    tpu.enqueue_dma source(%dma_start3A_34 : memref<120xi32, #tpu.memory_space<hbm>>) target(%dma_start3A_33 : memref<120xi32, #tpu.memory_space<vmem>>) target_semaphore(%arg13 : memref<!tpu.dma_semaphore, #tpu.memory_space<semaphore_mem>>)
    %add3A_35 = arith.constant 0 : i32
    %add3A_36 = arith.addi %add3A, %add3A_35 : i32
    %mul3A_37 = arith.constant 120 : i32
    %mul3A_38 = arith.muli %add3A_36, %mul3A_37 : i32
    %min3A_39 = arith.constant 169880 : i32
    %min3A_40 = arith.minsi %mul3A_38, %min3A_39 : i32
    %dma_wait3A = arith.constant 0 : i32
    %dma_wait3A_41 = tpu.memref_slice %arg6[%dma_wait3A] : memref<240xi32, #tpu.memory_space<vmem>> -> memref<120xi32, #tpu.memory_space<vmem>>
    %dma_wait3A_42 = tpu.memref_slice %arg3[%min3A_40] : memref<170000xi32, #tpu.memory_space<hbm>> -> memref<120xi32, #tpu.memory_space<hbm>>
    %dma_wait3A_43 = arith.constant 0 : i32
    %dma_wait3A_44 = tpu.memref_slice %arg6[%dma_wait3A_43] : memref<240xi32, #tpu.memory_space<vmem>> -> memref<120xi32, #tpu.memory_space<vmem>>
    %dma_wait3A_45 = tpu.memref_slice %arg3[%min3A_40] : memref<170000xi32, #tpu.memory_space<hbm>> -> memref<120xi32, #tpu.memory_space<hbm>>
    tpu.wait_dma2 semaphore(%arg12 : memref<!tpu.dma_semaphore, #tpu.memory_space<semaphore_mem>>) src(%dma_wait3A_45 : memref<120xi32, #tpu.memory_space<hbm>>) dst(%dma_wait3A_44 : memref<120xi32, #tpu.memory_space<vmem>>)
    %dma_wait3A_46 = arith.constant 120 : i32
    %dma_wait3A_47 = tpu.memref_slice %arg6[%dma_wait3A_46] : memref<240xi32, #tpu.memory_space<vmem>> -> memref<120xi32, #tpu.memory_space<vmem>>
    %dma_wait3A_48 = tpu.memref_slice %arg4[%min3A_40] : memref<170000xi32, #tpu.memory_space<hbm>> -> memref<120xi32, #tpu.memory_space<hbm>>
    %dma_wait3A_49 = arith.constant 120 : i32
    %dma_wait3A_50 = tpu.memref_slice %arg6[%dma_wait3A_49] : memref<240xi32, #tpu.memory_space<vmem>> -> memref<120xi32, #tpu.memory_space<vmem>>
    %dma_wait3A_51 = tpu.memref_slice %arg4[%min3A_40] : memref<170000xi32, #tpu.memory_space<hbm>> -> memref<120xi32, #tpu.memory_space<hbm>>
    tpu.wait_dma2 semaphore(%arg12 : memref<!tpu.dma_semaphore, #tpu.memory_space<semaphore_mem>>) src(%dma_wait3A_51 : memref<120xi32, #tpu.memory_space<hbm>>) dst(%dma_wait3A_50 : memref<120xi32, #tpu.memory_space<vmem>>)
    %add3A_52 = arith.constant 0 : i32
    %add3A_53 = arith.addi %add3A, %add3A_52 : i32
    %mul3A_54 = arith.constant 120 : i32
    %mul3A_55 = arith.muli %add3A_53, %mul3A_54 : i32
    %min3A_56 = arith.constant 169880 : i32
    %min3A_57 = arith.minsi %mul3A_55, %min3A_56 : i32
    %add3A_58 = arith.constant 120 : i32
    %add3A_59 = arith.addi %min3A_57, %add3A_58 : i32
    %le3A = arith.constant 10000 : i32
    %le3A_60 = arith.cmpi sle, %add3A_59, %le3A : i32
    %convert_element_type3A = arith.extui %le3A_60 : i1 to i32
    %cond3A = arith.constant 0 : i32
    %cond3A_61 = arith.cmpi ne, %convert_element_type3A, %cond3A : i32
    scf.if %cond3A_61 {
      %add3A_147 = arith.constant 0 : i32
      %add3A_148 = arith.addi %add3A, %add3A_147 : i32
      %mul3A_149 = arith.constant 120 : i32
      %mul3A_150 = arith.muli %add3A_148, %mul3A_149 : i32
      %min3A_151 = arith.constant 169880 : i32
      %min3A_152 = arith.minsi %mul3A_150, %min3A_151 : i32
      %dma_start3A_153 = arith.constant 0 : i32
      %dma_start3A_154 = tpu.memref_slice %arg2[%min3A_152, %dma_start3A_153] : memref<10000x256xf32, #tpu.memory_space<hbm>> -> memref<120x256xf32, #tpu.memory_space<hbm>>
      %dma_start3A_155 = arith.constant 0 : i32
      %dma_start3A_156 = tpu.memref_slice %arg2[%min3A_152, %dma_start3A_155] : memref<10000x256xf32, #tpu.memory_space<hbm>> -> memref<120x256xf32, #tpu.memory_space<hbm>>
      tpu.enqueue_dma source(%dma_start3A_156 : memref<120x256xf32, #tpu.memory_space<hbm>>) target(%arg8 : memref<120x256xf32, #tpu.memory_space<vmem>>) target_semaphore(%arg14 : memref<!tpu.dma_semaphore, #tpu.memory_space<semaphore_mem>>)
    } else {
    }
    %add3A_62 = arith.constant 0 : i32
    %add3A_63 = arith.addi %add3A, %add3A_62 : i32
    %mul3A_64 = arith.constant 120 : i32
    %mul3A_65 = arith.muli %add3A_63, %mul3A_64 : i32
    %min3A_66 = arith.constant 169880 : i32
    %min3A_67 = arith.minsi %mul3A_65, %min3A_66 : i32
    %add3A_68 = arith.constant 120 : i32
    %add3A_69 = arith.addi %min3A_67, %add3A_68 : i32
    %le3A_70 = arith.constant 10000 : i32
    %le3A_71 = arith.cmpi sle, %add3A_69, %le3A_70 : i32
    %not3A = arith.constant true
    %not3A_72 = arith.xori %le3A_71, %not3A : i1
    %convert_element_type3A_73 = arith.extui %not3A_72 : i1 to i32
    %cond3A_74 = arith.constant 0 : i32
    %cond3A_75 = arith.cmpi ne, %convert_element_type3A_73, %cond3A_74 : i32
    scf.if %cond3A_75 {
      %dma_start3A_147 = arith.constant 0 : i32
      %dma_start3A_148 = arith.constant 0 : i32
      %dma_start3A_149 = tpu.memref_slice %arg8[%dma_start3A_147, %dma_start3A_148] : memref<120x256xf32, #tpu.memory_space<vmem>> -> memref<64x256xf32, #tpu.memory_space<vmem>>
      %dma_start3A_150 = arith.constant 0 : i32
      %dma_start3A_151 = tpu.memref_slice %arg6[%dma_start3A_150] : memref<240xi32, #tpu.memory_space<vmem>> -> memref<64xi32, #tpu.memory_space<vmem>>
      %dma_start3A_152 = arith.constant 0 : i32
      %dma_start3A_153 = arith.constant 0 : i32
      %dma_start3A_154 = tpu.memref_slice %arg2[%dma_start3A_152, %dma_start3A_153] : memref<10000x256xf32, #tpu.memory_space<hbm>> -> memref<10000x256xf32, #tpu.memory_space<hbm>>
      tpu.enqueue_indirect_dma source(%dma_start3A_154 : memref<10000x256xf32, #tpu.memory_space<hbm>>) target(%dma_start3A_149 : memref<64x256xf32, #tpu.memory_space<vmem>>) offsets(%dma_start3A_151 : memref<64xi32, #tpu.memory_space<vmem>>) semaphore(%arg14 : memref<!tpu.dma_semaphore, #tpu.memory_space<semaphore_mem>>)
      %dma_start3A_155 = arith.constant 64 : i32
      %dma_start3A_156 = arith.constant 0 : i32
      %dma_start3A_157 = tpu.memref_slice %arg8[%dma_start3A_155, %dma_start3A_156] : memref<120x256xf32, #tpu.memory_space<vmem>> -> memref<56x256xf32, #tpu.memory_space<vmem>>
      %dma_start3A_158 = arith.constant 64 : i32
      %dma_start3A_159 = tpu.memref_slice %arg6[%dma_start3A_158] : memref<240xi32, #tpu.memory_space<vmem>> -> memref<56xi32, #tpu.memory_space<vmem>>
      %dma_start3A_160 = arith.constant 0 : i32
      %dma_start3A_161 = arith.constant 0 : i32
      %dma_start3A_162 = tpu.memref_slice %arg2[%dma_start3A_160, %dma_start3A_161] : memref<10000x256xf32, #tpu.memory_space<hbm>> -> memref<10000x256xf32, #tpu.memory_space<hbm>>
      tpu.enqueue_indirect_dma source(%dma_start3A_162 : memref<10000x256xf32, #tpu.memory_space<hbm>>) target(%dma_start3A_157 : memref<56x256xf32, #tpu.memory_space<vmem>>) offsets(%dma_start3A_159 : memref<56xi32, #tpu.memory_space<vmem>>) semaphore(%arg14 : memref<!tpu.dma_semaphore, #tpu.memory_space<semaphore_mem>>)
      %dma_start3A_163 = arith.constant 0 : i32
      %dma_start3A_164 = arith.constant 0 : i32
      %dma_start3A_165 = tpu.memref_slice %arg9[%dma_start3A_163, %dma_start3A_164] : memref<120x256xf32, #tpu.memory_space<vmem>> -> memref<64x256xf32, #tpu.memory_space<vmem>>
      %dma_start3A_166 = arith.constant 120 : i32
      %dma_start3A_167 = tpu.memref_slice %arg6[%dma_start3A_166] : memref<240xi32, #tpu.memory_space<vmem>> -> memref<64xi32, #tpu.memory_space<vmem>>
      %dma_start3A_168 = arith.constant 0 : i32
      %dma_start3A_169 = arith.constant 0 : i32
      %dma_start3A_170 = tpu.memref_slice %arg2[%dma_start3A_168, %dma_start3A_169] : memref<10000x256xf32, #tpu.memory_space<hbm>> -> memref<10000x256xf32, #tpu.memory_space<hbm>>
      tpu.enqueue_indirect_dma source(%dma_start3A_170 : memref<10000x256xf32, #tpu.memory_space<hbm>>) target(%dma_start3A_165 : memref<64x256xf32, #tpu.memory_space<vmem>>) offsets(%dma_start3A_167 : memref<64xi32, #tpu.memory_space<vmem>>) semaphore(%arg14 : memref<!tpu.dma_semaphore, #tpu.memory_space<semaphore_mem>>)
      %dma_start3A_171 = arith.constant 64 : i32
      %dma_start3A_172 = arith.constant 0 : i32
      %dma_start3A_173 = tpu.memref_slice %arg9[%dma_start3A_171, %dma_start3A_172] : memref<120x256xf32, #tpu.memory_space<vmem>> -> memref<56x256xf32, #tpu.memory_space<vmem>>
      %dma_start3A_174 = arith.constant 184 : i32
      %dma_start3A_175 = tpu.memref_slice %arg6[%dma_start3A_174] : memref<240xi32, #tpu.memory_space<vmem>> -> memref<56xi32, #tpu.memory_space<vmem>>
      %dma_start3A_176 = arith.constant 0 : i32
      %dma_start3A_177 = arith.constant 0 : i32
      %dma_start3A_178 = tpu.memref_slice %arg2[%dma_start3A_176, %dma_start3A_177] : memref<10000x256xf32, #tpu.memory_space<hbm>> -> memref<10000x256xf32, #tpu.memory_space<hbm>>
      tpu.enqueue_indirect_dma source(%dma_start3A_178 : memref<10000x256xf32, #tpu.memory_space<hbm>>) target(%dma_start3A_173 : memref<56x256xf32, #tpu.memory_space<vmem>>) offsets(%dma_start3A_175 : memref<56xi32, #tpu.memory_space<vmem>>) semaphore(%arg14 : memref<!tpu.dma_semaphore, #tpu.memory_space<semaphore_mem>>)
    } else {
    }
    %add3A_76 = arith.constant 32 : i32
    %add3A_77 = arith.addi %add3A, %add3A_76 : i32
    %mul3A_78 = arith.constant 120 : i32
    %mul3A_79 = arith.muli %add3A_77, %mul3A_78 : i32
    %min3A_80 = arith.constant 169880 : i32
    %min3A_81 = arith.minsi %mul3A_79, %min3A_80 : i32
    %dma_wait3A_82 = arith.constant 0 : i32
    %dma_wait3A_83 = tpu.memref_slice %arg7[%dma_wait3A_82] : memref<240xi32, #tpu.memory_space<vmem>> -> memref<120xi32, #tpu.memory_space<vmem>>
    %dma_wait3A_84 = tpu.memref_slice %arg3[%min3A_81] : memref<170000xi32, #tpu.memory_space<hbm>> -> memref<120xi32, #tpu.memory_space<hbm>>
    %dma_wait3A_85 = arith.constant 0 : i32
    %dma_wait3A_86 = tpu.memref_slice %arg7[%dma_wait3A_85] : memref<240xi32, #tpu.memory_space<vmem>> -> memref<120xi32, #tpu.memory_space<vmem>>
    %dma_wait3A_87 = tpu.memref_slice %arg3[%min3A_81] : memref<170000xi32, #tpu.memory_space<hbm>> -> memref<120xi32, #tpu.memory_space<hbm>>
    tpu.wait_dma2 semaphore(%arg13 : memref<!tpu.dma_semaphore, #tpu.memory_space<semaphore_mem>>) src(%dma_wait3A_87 : memref<120xi32, #tpu.memory_space<hbm>>) dst(%dma_wait3A_86 : memref<120xi32, #tpu.memory_space<vmem>>)
    %dma_wait3A_88 = arith.constant 120 : i32
    %dma_wait3A_89 = tpu.memref_slice %arg7[%dma_wait3A_88] : memref<240xi32, #tpu.memory_space<vmem>> -> memref<120xi32, #tpu.memory_space<vmem>>
    %dma_wait3A_90 = tpu.memref_slice %arg4[%min3A_81] : memref<170000xi32, #tpu.memory_space<hbm>> -> memref<120xi32, #tpu.memory_space<hbm>>
    %dma_wait3A_91 = arith.constant 120 : i32
    %dma_wait3A_92 = tpu.memref_slice %arg7[%dma_wait3A_91] : memref<240xi32, #tpu.memory_space<vmem>> -> memref<120xi32, #tpu.memory_space<vmem>>
    %dma_wait3A_93 = tpu.memref_slice %arg4[%min3A_81] : memref<170000xi32, #tpu.memory_space<hbm>> -> memref<120xi32, #tpu.memory_space<hbm>>
    tpu.wait_dma2 semaphore(%arg13 : memref<!tpu.dma_semaphore, #tpu.memory_space<semaphore_mem>>) src(%dma_wait3A_93 : memref<120xi32, #tpu.memory_space<hbm>>) dst(%dma_wait3A_92 : memref<120xi32, #tpu.memory_space<vmem>>)
    %add3A_94 = arith.constant 32 : i32
    %add3A_95 = arith.addi %add3A, %add3A_94 : i32
    %mul3A_96 = arith.constant 120 : i32
    %mul3A_97 = arith.muli %add3A_95, %mul3A_96 : i32
    %min3A_98 = arith.constant 169880 : i32
    %min3A_99 = arith.minsi %mul3A_97, %min3A_98 : i32
    %add3A_100 = arith.constant 120 : i32
    %add3A_101 = arith.addi %min3A_99, %add3A_100 : i32
    %le3A_102 = arith.constant 10000 : i32
    %le3A_103 = arith.cmpi sle, %add3A_101, %le3A_102 : i32
    %convert_element_type3A_104 = arith.extui %le3A_103 : i1 to i32
    %cond3A_105 = arith.constant 0 : i32
    %cond3A_106 = arith.cmpi ne, %convert_element_type3A_104, %cond3A_105 : i32
    scf.if %cond3A_106 {
      %add3A_147 = arith.constant 32 : i32
      %add3A_148 = arith.addi %add3A, %add3A_147 : i32
      %mul3A_149 = arith.constant 120 : i32
      %mul3A_150 = arith.muli %add3A_148, %mul3A_149 : i32
      %min3A_151 = arith.constant 169880 : i32
      %min3A_152 = arith.minsi %mul3A_150, %min3A_151 : i32
      %dma_start3A_153 = arith.constant 0 : i32
      %dma_start3A_154 = tpu.memref_slice %arg2[%min3A_152, %dma_start3A_153] : memref<10000x256xf32, #tpu.memory_space<hbm>> -> memref<120x256xf32, #tpu.memory_space<hbm>>
      %dma_start3A_155 = arith.constant 0 : i32
      %dma_start3A_156 = tpu.memref_slice %arg2[%min3A_152, %dma_start3A_155] : memref<10000x256xf32, #tpu.memory_space<hbm>> -> memref<120x256xf32, #tpu.memory_space<hbm>>
      tpu.enqueue_dma source(%dma_start3A_156 : memref<120x256xf32, #tpu.memory_space<hbm>>) target(%arg10 : memref<120x256xf32, #tpu.memory_space<vmem>>) target_semaphore(%arg15 : memref<!tpu.dma_semaphore, #tpu.memory_space<semaphore_mem>>)
    } else {
    }
    %add3A_107 = arith.constant 32 : i32
    %add3A_108 = arith.addi %add3A, %add3A_107 : i32
    %mul3A_109 = arith.constant 120 : i32
    %mul3A_110 = arith.muli %add3A_108, %mul3A_109 : i32
    %min3A_111 = arith.constant 169880 : i32
    %min3A_112 = arith.minsi %mul3A_110, %min3A_111 : i32
    %add3A_113 = arith.constant 120 : i32
    %add3A_114 = arith.addi %min3A_112, %add3A_113 : i32
    %le3A_115 = arith.constant 10000 : i32
    %le3A_116 = arith.cmpi sle, %add3A_114, %le3A_115 : i32
    %not3A_117 = arith.constant true
    %not3A_118 = arith.xori %le3A_116, %not3A_117 : i1
    %convert_element_type3A_119 = arith.extui %not3A_118 : i1 to i32
    %cond3A_120 = arith.constant 0 : i32
    %cond3A_121 = arith.cmpi ne, %convert_element_type3A_119, %cond3A_120 : i32
    scf.if %cond3A_121 {
      %dma_start3A_147 = arith.constant 0 : i32
      %dma_start3A_148 = arith.constant 0 : i32
      %dma_start3A_149 = tpu.memref_slice %arg10[%dma_start3A_147, %dma_start3A_148] : memref<120x256xf32, #tpu.memory_space<vmem>> -> memref<64x256xf32, #tpu.memory_space<vmem>>
      %dma_start3A_150 = arith.constant 0 : i32
      %dma_start3A_151 = tpu.memref_slice %arg7[%dma_start3A_150] : memref<240xi32, #tpu.memory_space<vmem>> -> memref<64xi32, #tpu.memory_space<vmem>>
      %dma_start3A_152 = arith.constant 0 : i32
      %dma_start3A_153 = arith.constant 0 : i32
      %dma_start3A_154 = tpu.memref_slice %arg2[%dma_start3A_152, %dma_start3A_153] : memref<10000x256xf32, #tpu.memory_space<hbm>> -> memref<10000x256xf32, #tpu.memory_space<hbm>>
      tpu.enqueue_indirect_dma source(%dma_start3A_154 : memref<10000x256xf32, #tpu.memory_space<hbm>>) target(%dma_start3A_149 : memref<64x256xf32, #tpu.memory_space<vmem>>) offsets(%dma_start3A_151 : memref<64xi32, #tpu.memory_space<vmem>>) semaphore(%arg15 : memref<!tpu.dma_semaphore, #tpu.memory_space<semaphore_mem>>)
      %dma_start3A_155 = arith.constant 64 : i32
      %dma_start3A_156 = arith.constant 0 : i32
      %dma_start3A_157 = tpu.memref_slice %arg10[%dma_start3A_155, %dma_start3A_156] : memref<120x256xf32, #tpu.memory_space<vmem>> -> memref<56x256xf32, #tpu.memory_space<vmem>>
      %dma_start3A_158 = arith.constant 64 : i32
      %dma_start3A_159 = tpu.memref_slice %arg7[%dma_start3A_158] : memref<240xi32, #tpu.memory_space<vmem>> -> memref<56xi32, #tpu.memory_space<vmem>>
      %dma_start3A_160 = arith.constant 0 : i32
      %dma_start3A_161 = arith.constant 0 : i32
      %dma_start3A_162 = tpu.memref_slice %arg2[%dma_start3A_160, %dma_start3A_161] : memref<10000x256xf32, #tpu.memory_space<hbm>> -> memref<10000x256xf32, #tpu.memory_space<hbm>>
      tpu.enqueue_indirect_dma source(%dma_start3A_162 : memref<10000x256xf32, #tpu.memory_space<hbm>>) target(%dma_start3A_157 : memref<56x256xf32, #tpu.memory_space<vmem>>) offsets(%dma_start3A_159 : memref<56xi32, #tpu.memory_space<vmem>>) semaphore(%arg15 : memref<!tpu.dma_semaphore, #tpu.memory_space<semaphore_mem>>)
      %dma_start3A_163 = arith.constant 0 : i32
      %dma_start3A_164 = arith.constant 0 : i32
      %dma_start3A_165 = tpu.memref_slice %arg11[%dma_start3A_163, %dma_start3A_164] : memref<120x256xf32, #tpu.memory_space<vmem>> -> memref<64x256xf32, #tpu.memory_space<vmem>>
      %dma_start3A_166 = arith.constant 120 : i32
      %dma_start3A_167 = tpu.memref_slice %arg7[%dma_start3A_166] : memref<240xi32, #tpu.memory_space<vmem>> -> memref<64xi32, #tpu.memory_space<vmem>>
      %dma_start3A_168 = arith.constant 0 : i32
      %dma_start3A_169 = arith.constant 0 : i32
      %dma_start3A_170 = tpu.memref_slice %arg2[%dma_start3A_168, %dma_start3A_169] : memref<10000x256xf32, #tpu.memory_space<hbm>> -> memref<10000x256xf32, #tpu.memory_space<hbm>>
      tpu.enqueue_indirect_dma source(%dma_start3A_170 : memref<10000x256xf32, #tpu.memory_space<hbm>>) target(%dma_start3A_165 : memref<64x256xf32, #tpu.memory_space<vmem>>) offsets(%dma_start3A_167 : memref<64xi32, #tpu.memory_space<vmem>>) semaphore(%arg15 : memref<!tpu.dma_semaphore, #tpu.memory_space<semaphore_mem>>)
      %dma_start3A_171 = arith.constant 64 : i32
      %dma_start3A_172 = arith.constant 0 : i32
      %dma_start3A_173 = tpu.memref_slice %arg11[%dma_start3A_171, %dma_start3A_172] : memref<120x256xf32, #tpu.memory_space<vmem>> -> memref<56x256xf32, #tpu.memory_space<vmem>>
      %dma_start3A_174 = arith.constant 184 : i32
      %dma_start3A_175 = tpu.memref_slice %arg7[%dma_start3A_174] : memref<240xi32, #tpu.memory_space<vmem>> -> memref<56xi32, #tpu.memory_space<vmem>>
      %dma_start3A_176 = arith.constant 0 : i32
      %dma_start3A_177 = arith.constant 0 : i32
      %dma_start3A_178 = tpu.memref_slice %arg2[%dma_start3A_176, %dma_start3A_177] : memref<10000x256xf32, #tpu.memory_space<hbm>> -> memref<10000x256xf32, #tpu.memory_space<hbm>>
      tpu.enqueue_indirect_dma source(%dma_start3A_178 : memref<10000x256xf32, #tpu.memory_space<hbm>>) target(%dma_start3A_173 : memref<56x256xf32, #tpu.memory_space<vmem>>) offsets(%dma_start3A_175 : memref<56xi32, #tpu.memory_space<vmem>>) semaphore(%arg15 : memref<!tpu.dma_semaphore, #tpu.memory_space<semaphore_mem>>)
    } else {
    }
    %scan3A = arith.constant 0 : i32
    %scan3A_122 = arith.constant 0 : i32
    %scan3A_123 = arith.constant 45 : i32
    %scan3A_124 = arith.addi %scan3A_122, %scan3A_123 : i32
    %scan3A_125 = arith.constant 1 : i32
    scf.for %scan3A_147 = %scan3A_122 to %scan3A_124 step %scan3A_125  : i32 {
      %jit3A = arith.constant 2 : i32
      %eq3A = arith.constant 0 : i32
      %eq3A_148 = arith.cmpi eq, %jit3A, %eq3A : i32
      %jit3A_149 = arith.constant 1 : i32
      %select_n3A = arith.select %eq3A_148, %jit3A_149, %jit3A : i32
      %rem3A = arith.remsi %scan3A_147, %select_n3A : i32
      %ne3A = arith.constant 0 : i32
      %ne3A_150 = arith.cmpi ne, %rem3A, %ne3A : i32
      %lt3A = arith.constant 0 : i32
      %lt3A_151 = arith.cmpi slt, %rem3A, %lt3A : i32
      %lt3A_152 = arith.constant 0 : i32
      %lt3A_153 = arith.cmpi slt, %select_n3A, %lt3A_152 : i32
      %ne3A_154 = arith.xori %lt3A_151, %lt3A_153 : i1
      %and3A = arith.andi %ne3A_154, %ne3A_150 : i1
      %add3A_155 = arith.addi %rem3A, %select_n3A : i32
      %select_n3A_156 = arith.select %and3A, %add3A_155, %rem3A : i32
      %eq3A_157 = arith.constant 0 : i32
      %eq3A_158 = arith.cmpi eq, %select_n3A_156, %eq3A_157 : i32
      %convert_element_type3A_159 = arith.extui %eq3A_158 : i1 to i32
      %cond3A_160 = arith.constant 0 : i32
      %cond3A_161 = arith.cmpi ne, %convert_element_type3A_159, %cond3A_160 : i32
      scf.if %cond3A_161 {
        %mul3A_183 = arith.constant 32 : i32
        %mul3A_184 = arith.muli %scan3A_147, %mul3A_183 : i32
        %add3A_185 = arith.addi %add3A, %mul3A_184 : i32
        %mul3A_186 = arith.constant 120 : i32
        %mul3A_187 = arith.muli %add3A_185, %mul3A_186 : i32
        %min3A_188 = arith.constant 169880 : i32
        %min3A_189 = arith.minsi %mul3A_187, %min3A_188 : i32
        %add3A_190 = arith.constant 120 : i32
        %add3A_191 = arith.addi %min3A_189, %add3A_190 : i32
        %le3A_192 = arith.constant 10000 : i32
        %le3A_193 = arith.cmpi sle, %add3A_191, %le3A_192 : i32
        %convert_element_type3A_194 = arith.extui %le3A_193 : i1 to i32
        %cond3A_195 = arith.constant 0 : i32
        %cond3A_196 = arith.cmpi ne, %convert_element_type3A_194, %cond3A_195 : i32
        scf.if %cond3A_196 {
          %mul3A_254 = arith.constant 32 : i32
          %mul3A_255 = arith.muli %scan3A_147, %mul3A_254 : i32
          %add3A_256 = arith.addi %add3A, %mul3A_255 : i32
          %mul3A_257 = arith.constant 120 : i32
          %mul3A_258 = arith.muli %add3A_256, %mul3A_257 : i32
          %min3A_259 = arith.constant 169880 : i32
          %min3A_260 = arith.minsi %mul3A_258, %min3A_259 : i32
          %dma_wait3A_261 = arith.constant 0 : i32
          %dma_wait3A_262 = tpu.memref_slice %arg2[%min3A_260, %dma_wait3A_261] : memref<10000x256xf32, #tpu.memory_space<hbm>> -> memref<120x256xf32, #tpu.memory_space<hbm>>
          %dma_wait3A_263 = arith.constant 0 : i32
          %dma_wait3A_264 = tpu.memref_slice %arg2[%min3A_260, %dma_wait3A_263] : memref<10000x256xf32, #tpu.memory_space<hbm>> -> memref<120x256xf32, #tpu.memory_space<hbm>>
          tpu.wait_dma2 semaphore(%arg14 : memref<!tpu.dma_semaphore, #tpu.memory_space<semaphore_mem>>) src(%dma_wait3A_264 : memref<120x256xf32, #tpu.memory_space<hbm>>) dst(%arg8 : memref<120x256xf32, #tpu.memory_space<vmem>>)
        } else {
        }
        %mul3A_197 = arith.constant 32 : i32
        %mul3A_198 = arith.muli %scan3A_147, %mul3A_197 : i32
        %add3A_199 = arith.addi %add3A, %mul3A_198 : i32
        %mul3A_200 = arith.constant 120 : i32
        %mul3A_201 = arith.muli %add3A_199, %mul3A_200 : i32
        %min3A_202 = arith.constant 169880 : i32
        %min3A_203 = arith.minsi %mul3A_201, %min3A_202 : i32
        %add3A_204 = arith.constant 120 : i32
        %add3A_205 = arith.addi %min3A_203, %add3A_204 : i32
        %le3A_206 = arith.constant 10000 : i32
        %le3A_207 = arith.cmpi sle, %add3A_205, %le3A_206 : i32
        %not3A_208 = arith.constant true
        %not3A_209 = arith.xori %le3A_207, %not3A_208 : i1
        %convert_element_type3A_210 = arith.extui %not3A_209 : i1 to i32
        %cond3A_211 = arith.constant 0 : i32
        %cond3A_212 = arith.cmpi ne, %convert_element_type3A_210, %cond3A_211 : i32
        scf.if %cond3A_212 {
          %dma_wait3A_254 = arith.constant 0 : i32
          %dma_wait3A_255 = arith.constant 0 : i32
          %dma_wait3A_256 = tpu.memref_slice %arg8[%dma_wait3A_254, %dma_wait3A_255] : memref<120x256xf32, #tpu.memory_space<vmem>> -> memref<64x256xf32, #tpu.memory_space<vmem>>
          %dma_wait3A_257 = arith.constant 0 : i32
          %dma_wait3A_258 = tpu.memref_slice %arg6[%dma_wait3A_257] : memref<240xi32, #tpu.memory_space<vmem>> -> memref<64xi32, #tpu.memory_space<vmem>>
          %dma_wait3A_259 = arith.constant 0 : i32
          %dma_wait3A_260 = arith.constant 0 : i32
          %dma_wait3A_261 = tpu.memref_slice %arg2[%dma_wait3A_259, %dma_wait3A_260] : memref<10000x256xf32, #tpu.memory_space<hbm>> -> memref<10000x256xf32, #tpu.memory_space<hbm>>
          tpu.wait_indirect_dma semaphore(%arg14 : memref<!tpu.dma_semaphore, #tpu.memory_space<semaphore_mem>>) src(%dma_wait3A_261 : memref<10000x256xf32, #tpu.memory_space<hbm>>) dst(%dma_wait3A_256 : memref<64x256xf32, #tpu.memory_space<vmem>>)
          %dma_wait3A_262 = arith.constant 64 : i32
          %dma_wait3A_263 = arith.constant 0 : i32
          %dma_wait3A_264 = tpu.memref_slice %arg8[%dma_wait3A_262, %dma_wait3A_263] : memref<120x256xf32, #tpu.memory_space<vmem>> -> memref<56x256xf32, #tpu.memory_space<vmem>>
          %dma_wait3A_265 = arith.constant 64 : i32
          %dma_wait3A_266 = tpu.memref_slice %arg6[%dma_wait3A_265] : memref<240xi32, #tpu.memory_space<vmem>> -> memref<56xi32, #tpu.memory_space<vmem>>
          %dma_wait3A_267 = arith.constant 0 : i32
          %dma_wait3A_268 = arith.constant 0 : i32
          %dma_wait3A_269 = tpu.memref_slice %arg2[%dma_wait3A_267, %dma_wait3A_268] : memref<10000x256xf32, #tpu.memory_space<hbm>> -> memref<10000x256xf32, #tpu.memory_space<hbm>>
          tpu.wait_indirect_dma semaphore(%arg14 : memref<!tpu.dma_semaphore, #tpu.memory_space<semaphore_mem>>) src(%dma_wait3A_269 : memref<10000x256xf32, #tpu.memory_space<hbm>>) dst(%dma_wait3A_264 : memref<56x256xf32, #tpu.memory_space<vmem>>)
          %dma_wait3A_270 = arith.constant 0 : i32
          %dma_wait3A_271 = arith.constant 0 : i32
          %dma_wait3A_272 = tpu.memref_slice %arg9[%dma_wait3A_270, %dma_wait3A_271] : memref<120x256xf32, #tpu.memory_space<vmem>> -> memref<64x256xf32, #tpu.memory_space<vmem>>
          %dma_wait3A_273 = arith.constant 120 : i32
          %dma_wait3A_274 = tpu.memref_slice %arg6[%dma_wait3A_273] : memref<240xi32, #tpu.memory_space<vmem>> -> memref<64xi32, #tpu.memory_space<vmem>>
          %dma_wait3A_275 = arith.constant 0 : i32
          %dma_wait3A_276 = arith.constant 0 : i32
          %dma_wait3A_277 = tpu.memref_slice %arg2[%dma_wait3A_275, %dma_wait3A_276] : memref<10000x256xf32, #tpu.memory_space<hbm>> -> memref<10000x256xf32, #tpu.memory_space<hbm>>
          tpu.wait_indirect_dma semaphore(%arg14 : memref<!tpu.dma_semaphore, #tpu.memory_space<semaphore_mem>>) src(%dma_wait3A_277 : memref<10000x256xf32, #tpu.memory_space<hbm>>) dst(%dma_wait3A_272 : memref<64x256xf32, #tpu.memory_space<vmem>>)
          %dma_wait3A_278 = arith.constant 64 : i32
          %dma_wait3A_279 = arith.constant 0 : i32
          %dma_wait3A_280 = tpu.memref_slice %arg9[%dma_wait3A_278, %dma_wait3A_279] : memref<120x256xf32, #tpu.memory_space<vmem>> -> memref<56x256xf32, #tpu.memory_space<vmem>>
          %dma_wait3A_281 = arith.constant 184 : i32
          %dma_wait3A_282 = tpu.memref_slice %arg6[%dma_wait3A_281] : memref<240xi32, #tpu.memory_space<vmem>> -> memref<56xi32, #tpu.memory_space<vmem>>
          %dma_wait3A_283 = arith.constant 0 : i32
          %dma_wait3A_284 = arith.constant 0 : i32
          %dma_wait3A_285 = tpu.memref_slice %arg2[%dma_wait3A_283, %dma_wait3A_284] : memref<10000x256xf32, #tpu.memory_space<hbm>> -> memref<10000x256xf32, #tpu.memory_space<hbm>>
          tpu.wait_indirect_dma semaphore(%arg14 : memref<!tpu.dma_semaphore, #tpu.memory_space<semaphore_mem>>) src(%dma_wait3A_285 : memref<10000x256xf32, #tpu.memory_space<hbm>>) dst(%dma_wait3A_280 : memref<56x256xf32, #tpu.memory_space<vmem>>)
        } else {
        }
        %add3A_213 = arith.constant 2 : i32
        %add3A_214 = arith.addi %scan3A_147, %add3A_213 : i32
        %lt3A_215 = arith.constant 45 : i32
        %lt3A_216 = arith.cmpi slt, %add3A_214, %lt3A_215 : i32
        %convert_element_type3A_217 = arith.extui %lt3A_216 : i1 to i32
        %cond3A_218 = arith.constant 0 : i32
        %cond3A_219 = arith.cmpi ne, %convert_element_type3A_217, %cond3A_218 : i32
        scf.if %cond3A_219 {
          %add3A_254 = arith.constant 2 : i32
          %add3A_255 = arith.addi %scan3A_147, %add3A_254 : i32
          %mul3A_256 = arith.constant 32 : i32
          %mul3A_257 = arith.muli %add3A_255, %mul3A_256 : i32
          %add3A_258 = arith.addi %add3A, %mul3A_257 : i32
          %mul3A_259 = arith.constant 120 : i32
          %mul3A_260 = arith.muli %add3A_258, %mul3A_259 : i32
          %min3A_261 = arith.constant 169880 : i32
          %min3A_262 = arith.minsi %mul3A_260, %min3A_261 : i32
          %dma_start3A_263 = arith.constant 0 : i32
          %dma_start3A_264 = tpu.memref_slice %arg6[%dma_start3A_263] : memref<240xi32, #tpu.memory_space<vmem>> -> memref<120xi32, #tpu.memory_space<vmem>>
          %dma_start3A_265 = tpu.memref_slice %arg3[%min3A_262] : memref<170000xi32, #tpu.memory_space<hbm>> -> memref<120xi32, #tpu.memory_space<hbm>>
          %dma_start3A_266 = arith.constant 0 : i32
          %dma_start3A_267 = tpu.memref_slice %arg6[%dma_start3A_266] : memref<240xi32, #tpu.memory_space<vmem>> -> memref<120xi32, #tpu.memory_space<vmem>>
          %dma_start3A_268 = tpu.memref_slice %arg3[%min3A_262] : memref<170000xi32, #tpu.memory_space<hbm>> -> memref<120xi32, #tpu.memory_space<hbm>>
          tpu.enqueue_dma source(%dma_start3A_268 : memref<120xi32, #tpu.memory_space<hbm>>) target(%dma_start3A_267 : memref<120xi32, #tpu.memory_space<vmem>>) target_semaphore(%arg12 : memref<!tpu.dma_semaphore, #tpu.memory_space<semaphore_mem>>)
          %dma_start3A_269 = arith.constant 120 : i32
          %dma_start3A_270 = tpu.memref_slice %arg6[%dma_start3A_269] : memref<240xi32, #tpu.memory_space<vmem>> -> memref<120xi32, #tpu.memory_space<vmem>>
          %dma_start3A_271 = tpu.memref_slice %arg4[%min3A_262] : memref<170000xi32, #tpu.memory_space<hbm>> -> memref<120xi32, #tpu.memory_space<hbm>>
          %dma_start3A_272 = arith.constant 120 : i32
          %dma_start3A_273 = tpu.memref_slice %arg6[%dma_start3A_272] : memref<240xi32, #tpu.memory_space<vmem>> -> memref<120xi32, #tpu.memory_space<vmem>>
          %dma_start3A_274 = tpu.memref_slice %arg4[%min3A_262] : memref<170000xi32, #tpu.memory_space<hbm>> -> memref<120xi32, #tpu.memory_space<hbm>>
          tpu.enqueue_dma source(%dma_start3A_274 : memref<120xi32, #tpu.memory_space<hbm>>) target(%dma_start3A_273 : memref<120xi32, #tpu.memory_space<vmem>>) target_semaphore(%arg12 : memref<!tpu.dma_semaphore, #tpu.memory_space<semaphore_mem>>)
        } else {
        }
        %mul3A_220 = arith.constant 32 : i32
        %mul3A_221 = arith.muli %scan3A_147, %mul3A_220 : i32
        %add3A_222 = arith.addi %add3A, %mul3A_221 : i32
        %mul3A_223 = arith.constant 120 : i32
        %mul3A_224 = arith.muli %add3A_222, %mul3A_223 : i32
        %min3A_225 = arith.constant 169880 : i32
        %min3A_226 = arith.minsi %mul3A_224, %min3A_225 : i32
        %add3A_227 = arith.constant 120 : i32
        %add3A_228 = arith.addi %min3A_226, %add3A_227 : i32
        %le3A_229 = arith.constant 10000 : i32
        %le3A_230 = arith.cmpi sle, %add3A_228, %le3A_229 : i32
        %not3A_231 = arith.constant true
        %not3A_232 = arith.xori %le3A_230, %not3A_231 : i1
        %convert_element_type3A_233 = arith.extui %not3A_232 : i1 to i32
        %cond3A_234 = arith.constant 0 : i32
        %cond3A_235 = arith.cmpi ne, %convert_element_type3A_233, %cond3A_234 : i32
        scf.if %cond3A_235 {
          %scan3A_254 = arith.constant 0 : i32
          %scan3A_255 = arith.constant 0 : i32
          %scan3A_256 = arith.constant 120 : i32
          %scan3A_257 = arith.addi %scan3A_255, %scan3A_256 : i32
          %scan3A_258 = arith.constant 1 : i32
          scf.for %scan3A_260 = %scan3A_255 to %scan3A_257 step %scan3A_258  : i32 {
            %get3A = arith.index_cast %scan3A_260 : i32 to index
            %get3A_261 = arith.constant 0 : index
            %get3A_262 = tpu.vector_load %arg8[%get3A, %get3A_261] {strides = array<i32>} : memref<120x256xf32, #tpu.memory_space<vmem>>, vector<1x16xf32>,
            %get3A_263 = vector.shape_cast %get3A_262 : vector<1x16xf32> to vector<16xf32>
            %get3A_264 = arith.index_cast %scan3A_260 : i32 to index
            %get3A_265 = arith.constant 0 : index
            %get3A_266 = tpu.vector_load %arg9[%get3A_264, %get3A_265] {strides = array<i32>} : memref<120x256xf32, #tpu.memory_space<vmem>>, vector<1x16xf32>,
            %get3A_267 = vector.shape_cast %get3A_266 : vector<1x16xf32> to vector<16xf32>
            %add3A_268 = arith.addf %get3A_263, %get3A_267 : vector<16xf32>
            %mul3A_269 = arith.constant 5.000000e-01 : f32
            %mul3A_270 = vector.broadcast %mul3A_269 : f32 to vector<16xf32>
            %mul3A_271 = arith.mulf %add3A_268, %mul3A_270 : vector<16xf32>
            %swap3A = arith.index_cast %scan3A_260 : i32 to index
            %swap3A_272 = arith.constant 0 : index
            %swap3A_273 = tpu.vector_load %arg8[%swap3A, %swap3A_272] {strides = array<i32>} : memref<120x256xf32, #tpu.memory_space<vmem>>, vector<1x16xf32>,
            %swap3A_274 = vector.shape_cast %swap3A_273 : vector<1x16xf32> to vector<16xf32>
            %swap3A_275 = vector.shape_cast %mul3A_271 : vector<16xf32> to vector<1x16xf32>
            tpu.vector_store %arg8[%swap3A, %swap3A_272], %swap3A_275 {strides = array<i32>} : memref<120x256xf32, #tpu.memory_space<vmem>>, vector<1x16xf32>,
            %get3A_276 = arith.index_cast %scan3A_260 : i32 to index
            %get3A_277 = arith.constant 16 : index
            %get3A_278 = tpu.vector_load %arg8[%get3A_276, %get3A_277] {strides = array<i32>} : memref<120x256xf32, #tpu.memory_space<vmem>>, vector<1x16xf32>,
            %get3A_279 = vector.shape_cast %get3A_278 : vector<1x16xf32> to vector<16xf32>
            %get3A_280 = arith.index_cast %scan3A_260 : i32 to index
            %get3A_281 = arith.constant 16 : index
            %get3A_282 = tpu.vector_load %arg9[%get3A_280, %get3A_281] {strides = array<i32>} : memref<120x256xf32, #tpu.memory_space<vmem>>, vector<1x16xf32>,
            %get3A_283 = vector.shape_cast %get3A_282 : vector<1x16xf32> to vector<16xf32>
            %add3A_284 = arith.addf %get3A_279, %get3A_283 : vector<16xf32>
            %mul3A_285 = arith.constant 5.000000e-01 : f32
            %mul3A_286 = vector.broadcast %mul3A_285 : f32 to vector<16xf32>
            %mul3A_287 = arith.mulf %add3A_284, %mul3A_286 : vector<16xf32>
            %swap3A_288 = arith.index_cast %scan3A_260 : i32 to index
            %swap3A_289 = arith.constant 16 : index
            %swap3A_290 = tpu.vector_load %arg8[%swap3A_288, %swap3A_289] {strides = array<i32>} : memref<120x256xf32, #tpu.memory_space<vmem>>, vector<1x16xf32>,
            %swap3A_291 = vector.shape_cast %swap3A_290 : vector<1x16xf32> to vector<16xf32>
            %swap3A_292 = vector.shape_cast %mul3A_287 : vector<16xf32> to vector<1x16xf32>
            tpu.vector_store %arg8[%swap3A_288, %swap3A_289], %swap3A_292 {strides = array<i32>} : memref<120x256xf32, #tpu.memory_space<vmem>>, vector<1x16xf32>,
            %get3A_293 = arith.index_cast %scan3A_260 : i32 to index
            %get3A_294 = arith.constant 32 : index
            %get3A_295 = tpu.vector_load %arg8[%get3A_293, %get3A_294] {strides = array<i32>} : memref<120x256xf32, #tpu.memory_space<vmem>>, vector<1x16xf32>,
            %get3A_296 = vector.shape_cast %get3A_295 : vector<1x16xf32> to vector<16xf32>
            %get3A_297 = arith.index_cast %scan3A_260 : i32 to index
            %get3A_298 = arith.constant 32 : index
            %get3A_299 = tpu.vector_load %arg9[%get3A_297, %get3A_298] {strides = array<i32>} : memref<120x256xf32, #tpu.memory_space<vmem>>, vector<1x16xf32>,
            %get3A_300 = vector.shape_cast %get3A_299 : vector<1x16xf32> to vector<16xf32>
            %add3A_301 = arith.addf %get3A_296, %get3A_300 : vector<16xf32>
            %mul3A_302 = arith.constant 5.000000e-01 : f32
            %mul3A_303 = vector.broadcast %mul3A_302 : f32 to vector<16xf32>
            %mul3A_304 = arith.mulf %add3A_301, %mul3A_303 : vector<16xf32>
            %swap3A_305 = arith.index_cast %scan3A_260 : i32 to index
            %swap3A_306 = arith.constant 32 : index
            %swap3A_307 = tpu.vector_load %arg8[%swap3A_305, %swap3A_306] {strides = array<i32>} : memref<120x256xf32, #tpu.memory_space<vmem>>, vector<1x16xf32>,
            %swap3A_308 = vector.shape_cast %swap3A_307 : vector<1x16xf32> to vector<16xf32>
            %swap3A_309 = vector.shape_cast %mul3A_304 : vector<16xf32> to vector<1x16xf32>
            tpu.vector_store %arg8[%swap3A_305, %swap3A_306], %swap3A_309 {strides = array<i32>} : memref<120x256xf32, #tpu.memory_space<vmem>>, vector<1x16xf32>,
            %get3A_310 = arith.index_cast %scan3A_260 : i32 to index
            %get3A_311 = arith.constant 48 : index
            %get3A_312 = tpu.vector_load %arg8[%get3A_310, %get3A_311] {strides = array<i32>} : memref<120x256xf32, #tpu.memory_space<vmem>>, vector<1x16xf32>,
            %get3A_313 = vector.shape_cast %get3A_312 : vector<1x16xf32> to vector<16xf32>
            %get3A_314 = arith.index_cast %scan3A_260 : i32 to index
            %get3A_315 = arith.constant 48 : index
            %get3A_316 = tpu.vector_load %arg9[%get3A_314, %get3A_315] {strides = array<i32>} : memref<120x256xf32, #tpu.memory_space<vmem>>, vector<1x16xf32>,
            %get3A_317 = vector.shape_cast %get3A_316 : vector<1x16xf32> to vector<16xf32>
            %add3A_318 = arith.addf %get3A_313, %get3A_317 : vector<16xf32>
            %mul3A_319 = arith.constant 5.000000e-01 : f32
            %mul3A_320 = vector.broadcast %mul3A_319 : f32 to vector<16xf32>
            %mul3A_321 = arith.mulf %add3A_318, %mul3A_320 : vector<16xf32>
            %swap3A_322 = arith.index_cast %scan3A_260 : i32 to index
            %swap3A_323 = arith.constant 48 : index
            %swap3A_324 = tpu.vector_load %arg8[%swap3A_322, %swap3A_323] {strides = array<i32>} : memref<120x256xf32, #tpu.memory_space<vmem>>, vector<1x16xf32>,
            %swap3A_325 = vector.shape_cast %swap3A_324 : vector<1x16xf32> to vector<16xf32>
            %swap3A_326 = vector.shape_cast %mul3A_321 : vector<16xf32> to vector<1x16xf32>
            tpu.vector_store %arg8[%swap3A_322, %swap3A_323], %swap3A_326 {strides = array<i32>} : memref<120x256xf32, #tpu.memory_space<vmem>>, vector<1x16xf32>,
            %get3A_327 = arith.index_cast %scan3A_260 : i32 to index
            %get3A_328 = arith.constant 64 : index
            %get3A_329 = tpu.vector_load %arg8[%get3A_327, %get3A_328] {strides = array<i32>} : memref<120x256xf32, #tpu.memory_space<vmem>>, vector<1x16xf32>,
            %get3A_330 = vector.shape_cast %get3A_329 : vector<1x16xf32> to vector<16xf32>
            %get3A_331 = arith.index_cast %scan3A_260 : i32 to index
            %get3A_332 = arith.constant 64 : index
            %get3A_333 = tpu.vector_load %arg9[%get3A_331, %get3A_332] {strides = array<i32>} : memref<120x256xf32, #tpu.memory_space<vmem>>, vector<1x16xf32>,
            %get3A_334 = vector.shape_cast %get3A_333 : vector<1x16xf32> to vector<16xf32>
            %add3A_335 = arith.addf %get3A_330, %get3A_334 : vector<16xf32>
            %mul3A_336 = arith.constant 5.000000e-01 : f32
            %mul3A_337 = vector.broadcast %mul3A_336 : f32 to vector<16xf32>
            %mul3A_338 = arith.mulf %add3A_335, %mul3A_337 : vector<16xf32>
            %swap3A_339 = arith.index_cast %scan3A_260 : i32 to index
            %swap3A_340 = arith.constant 64 : index
            %swap3A_341 = tpu.vector_load %arg8[%swap3A_339, %swap3A_340] {strides = array<i32>} : memref<120x256xf32, #tpu.memory_space<vmem>>, vector<1x16xf32>,
            %swap3A_342 = vector.shape_cast %swap3A_341 : vector<1x16xf32> to vector<16xf32>
            %swap3A_343 = vector.shape_cast %mul3A_338 : vector<16xf32> to vector<1x16xf32>
            tpu.vector_store %arg8[%swap3A_339, %swap3A_340], %swap3A_343 {strides = array<i32>} : memref<120x256xf32, #tpu.memory_space<vmem>>, vector<1x16xf32>,
            %get3A_344 = arith.index_cast %scan3A_260 : i32 to index
            %get3A_345 = arith.constant 80 : index
            %get3A_346 = tpu.vector_load %arg8[%get3A_344, %get3A_345] {strides = array<i32>} : memref<120x256xf32, #tpu.memory_space<vmem>>, vector<1x16xf32>,
            %get3A_347 = vector.shape_cast %get3A_346 : vector<1x16xf32> to vector<16xf32>
            %get3A_348 = arith.index_cast %scan3A_260 : i32 to index
            %get3A_349 = arith.constant 80 : index
            %get3A_350 = tpu.vector_load %arg9[%get3A_348, %get3A_349] {strides = array<i32>} : memref<120x256xf32, #tpu.memory_space<vmem>>, vector<1x16xf32>,
            %get3A_351 = vector.shape_cast %get3A_350 : vector<1x16xf32> to vector<16xf32>
            %add3A_352 = arith.addf %get3A_347, %get3A_351 : vector<16xf32>
            %mul3A_353 = arith.constant 5.000000e-01 : f32
            %mul3A_354 = vector.broadcast %mul3A_353 : f32 to vector<16xf32>
            %mul3A_355 = arith.mulf %add3A_352, %mul3A_354 : vector<16xf32>
            %swap3A_356 = arith.index_cast %scan3A_260 : i32 to index
            %swap3A_357 = arith.constant 80 : index
            %swap3A_358 = tpu.vector_load %arg8[%swap3A_356, %swap3A_357] {strides = array<i32>} : memref<120x256xf32, #tpu.memory_space<vmem>>, vector<1x16xf32>,
            %swap3A_359 = vector.shape_cast %swap3A_358 : vector<1x16xf32> to vector<16xf32>
            %swap3A_360 = vector.shape_cast %mul3A_355 : vector<16xf32> to vector<1x16xf32>
            tpu.vector_store %arg8[%swap3A_356, %swap3A_357], %swap3A_360 {strides = array<i32>} : memref<120x256xf32, #tpu.memory_space<vmem>>, vector<1x16xf32>,
            %get3A_361 = arith.index_cast %scan3A_260 : i32 to index
            %get3A_362 = arith.constant 96 : index
            %get3A_363 = tpu.vector_load %arg8[%get3A_361, %get3A_362] {strides = array<i32>} : memref<120x256xf32, #tpu.memory_space<vmem>>, vector<1x16xf32>,
            %get3A_364 = vector.shape_cast %get3A_363 : vector<1x16xf32> to vector<16xf32>
            %get3A_365 = arith.index_cast %scan3A_260 : i32 to index
            %get3A_366 = arith.constant 96 : index
            %get3A_367 = tpu.vector_load %arg9[%get3A_365, %get3A_366] {strides = array<i32>} : memref<120x256xf32, #tpu.memory_space<vmem>>, vector<1x16xf32>,
            %get3A_368 = vector.shape_cast %get3A_367 : vector<1x16xf32> to vector<16xf32>
            %add3A_369 = arith.addf %get3A_364, %get3A_368 : vector<16xf32>
            %mul3A_370 = arith.constant 5.000000e-01 : f32
            %mul3A_371 = vector.broadcast %mul3A_370 : f32 to vector<16xf32>
            %mul3A_372 = arith.mulf %add3A_369, %mul3A_371 : vector<16xf32>
            %swap3A_373 = arith.index_cast %scan3A_260 : i32 to index
            %swap3A_374 = arith.constant 96 : index
            %swap3A_375 = tpu.vector_load %arg8[%swap3A_373, %swap3A_374] {strides = array<i32>} : memref<120x256xf32, #tpu.memory_space<vmem>>, vector<1x16xf32>,
            %swap3A_376 = vector.shape_cast %swap3A_375 : vector<1x16xf32> to vector<16xf32>
            %swap3A_377 = vector.shape_cast %mul3A_372 : vector<16xf32> to vector<1x16xf32>
            tpu.vector_store %arg8[%swap3A_373, %swap3A_374], %swap3A_377 {strides = array<i32>} : memref<120x256xf32, #tpu.memory_space<vmem>>, vector<1x16xf32>,
            %get3A_378 = arith.index_cast %scan3A_260 : i32 to index
            %get3A_379 = arith.constant 112 : index
            %get3A_380 = tpu.vector_load %arg8[%get3A_378, %get3A_379] {strides = array<i32>} : memref<120x256xf32, #tpu.memory_space<vmem>>, vector<1x16xf32>,
            %get3A_381 = vector.shape_cast %get3A_380 : vector<1x16xf32> to vector<16xf32>
            %get3A_382 = arith.index_cast %scan3A_260 : i32 to index
            %get3A_383 = arith.constant 112 : index
            %get3A_384 = tpu.vector_load %arg9[%get3A_382, %get3A_383] {strides = array<i32>} : memref<120x256xf32, #tpu.memory_space<vmem>>, vector<1x16xf32>,
            %get3A_385 = vector.shape_cast %get3A_384 : vector<1x16xf32> to vector<16xf32>
            %add3A_386 = arith.addf %get3A_381, %get3A_385 : vector<16xf32>
            %mul3A_387 = arith.constant 5.000000e-01 : f32
            %mul3A_388 = vector.broadcast %mul3A_387 : f32 to vector<16xf32>
            %mul3A_389 = arith.mulf %add3A_386, %mul3A_388 : vector<16xf32>
            %swap3A_390 = arith.index_cast %scan3A_260 : i32 to index
            %swap3A_391 = arith.constant 112 : index
            %swap3A_392 = tpu.vector_load %arg8[%swap3A_390, %swap3A_391] {strides = array<i32>} : memref<120x256xf32, #tpu.memory_space<vmem>>, vector<1x16xf32>,
            %swap3A_393 = vector.shape_cast %swap3A_392 : vector<1x16xf32> to vector<16xf32>
            %swap3A_394 = vector.shape_cast %mul3A_389 : vector<16xf32> to vector<1x16xf32>
            tpu.vector_store %arg8[%swap3A_390, %swap3A_391], %swap3A_394 {strides = array<i32>} : memref<120x256xf32, #tpu.memory_space<vmem>>, vector<1x16xf32>,
            %get3A_395 = arith.index_cast %scan3A_260 : i32 to index
            %get3A_396 = arith.constant 128 : index
            %get3A_397 = tpu.vector_load %arg8[%get3A_395, %get3A_396] {strides = array<i32>} : memref<120x256xf32, #tpu.memory_space<vmem>>, vector<1x16xf32>,
            %get3A_398 = vector.shape_cast %get3A_397 : vector<1x16xf32> to vector<16xf32>
            %get3A_399 = arith.index_cast %scan3A_260 : i32 to index
            %get3A_400 = arith.constant 128 : index
            %get3A_401 = tpu.vector_load %arg9[%get3A_399, %get3A_400] {strides = array<i32>} : memref<120x256xf32, #tpu.memory_space<vmem>>, vector<1x16xf32>,
            %get3A_402 = vector.shape_cast %get3A_401 : vector<1x16xf32> to vector<16xf32>
            %add3A_403 = arith.addf %get3A_398, %get3A_402 : vector<16xf32>
            %mul3A_404 = arith.constant 5.000000e-01 : f32
            %mul3A_405 = vector.broadcast %mul3A_404 : f32 to vector<16xf32>
            %mul3A_406 = arith.mulf %add3A_403, %mul3A_405 : vector<16xf32>
            %swap3A_407 = arith.index_cast %scan3A_260 : i32 to index
            %swap3A_408 = arith.constant 128 : index
            %swap3A_409 = tpu.vector_load %arg8[%swap3A_407, %swap3A_408] {strides = array<i32>} : memref<120x256xf32, #tpu.memory_space<vmem>>, vector<1x16xf32>,
            %swap3A_410 = vector.shape_cast %swap3A_409 : vector<1x16xf32> to vector<16xf32>
            %swap3A_411 = vector.shape_cast %mul3A_406 : vector<16xf32> to vector<1x16xf32>
            tpu.vector_store %arg8[%swap3A_407, %swap3A_408], %swap3A_411 {strides = array<i32>} : memref<120x256xf32, #tpu.memory_space<vmem>>, vector<1x16xf32>,
            %get3A_412 = arith.index_cast %scan3A_260 : i32 to index
            %get3A_413 = arith.constant 144 : index
            %get3A_414 = tpu.vector_load %arg8[%get3A_412, %get3A_413] {strides = array<i32>} : memref<120x256xf32, #tpu.memory_space<vmem>>, vector<1x16xf32>,
            %get3A_415 = vector.shape_cast %get3A_414 : vector<1x16xf32> to vector<16xf32>
            %get3A_416 = arith.index_cast %scan3A_260 : i32 to index
            %get3A_417 = arith.constant 144 : index
            %get3A_418 = tpu.vector_load %arg9[%get3A_416, %get3A_417] {strides = array<i32>} : memref<120x256xf32, #tpu.memory_space<vmem>>, vector<1x16xf32>,
            %get3A_419 = vector.shape_cast %get3A_418 : vector<1x16xf32> to vector<16xf32>
            %add3A_420 = arith.addf %get3A_415, %get3A_419 : vector<16xf32>
            %mul3A_421 = arith.constant 5.000000e-01 : f32
            %mul3A_422 = vector.broadcast %mul3A_421 : f32 to vector<16xf32>
            %mul3A_423 = arith.mulf %add3A_420, %mul3A_422 : vector<16xf32>
            %swap3A_424 = arith.index_cast %scan3A_260 : i32 to index
            %swap3A_425 = arith.constant 144 : index
            %swap3A_426 = tpu.vector_load %arg8[%swap3A_424, %swap3A_425] {strides = array<i32>} : memref<120x256xf32, #tpu.memory_space<vmem>>, vector<1x16xf32>,
            %swap3A_427 = vector.shape_cast %swap3A_426 : vector<1x16xf32> to vector<16xf32>
            %swap3A_428 = vector.shape_cast %mul3A_423 : vector<16xf32> to vector<1x16xf32>
            tpu.vector_store %arg8[%swap3A_424, %swap3A_425], %swap3A_428 {strides = array<i32>} : memref<120x256xf32, #tpu.memory_space<vmem>>, vector<1x16xf32>,
            %get3A_429 = arith.index_cast %scan3A_260 : i32 to index
            %get3A_430 = arith.constant 160 : index
            %get3A_431 = tpu.vector_load %arg8[%get3A_429, %get3A_430] {strides = array<i32>} : memref<120x256xf32, #tpu.memory_space<vmem>>, vector<1x16xf32>,
            %get3A_432 = vector.shape_cast %get3A_431 : vector<1x16xf32> to vector<16xf32>
            %get3A_433 = arith.index_cast %scan3A_260 : i32 to index
            %get3A_434 = arith.constant 160 : index
            %get3A_435 = tpu.vector_load %arg9[%get3A_433, %get3A_434] {strides = array<i32>} : memref<120x256xf32, #tpu.memory_space<vmem>>, vector<1x16xf32>,
            %get3A_436 = vector.shape_cast %get3A_435 : vector<1x16xf32> to vector<16xf32>
            %add3A_437 = arith.addf %get3A_432, %get3A_436 : vector<16xf32>
            %mul3A_438 = arith.constant 5.000000e-01 : f32
            %mul3A_439 = vector.broadcast %mul3A_438 : f32 to vector<16xf32>
            %mul3A_440 = arith.mulf %add3A_437, %mul3A_439 : vector<16xf32>
            %swap3A_441 = arith.index_cast %scan3A_260 : i32 to index
            %swap3A_442 = arith.constant 160 : index
            %swap3A_443 = tpu.vector_load %arg8[%swap3A_441, %swap3A_442] {strides = array<i32>} : memref<120x256xf32, #tpu.memory_space<vmem>>, vector<1x16xf32>,
            %swap3A_444 = vector.shape_cast %swap3A_443 : vector<1x16xf32> to vector<16xf32>
            %swap3A_445 = vector.shape_cast %mul3A_440 : vector<16xf32> to vector<1x16xf32>
            tpu.vector_store %arg8[%swap3A_441, %swap3A_442], %swap3A_445 {strides = array<i32>} : memref<120x256xf32, #tpu.memory_space<vmem>>, vector<1x16xf32>,
            %get3A_446 = arith.index_cast %scan3A_260 : i32 to index
            %get3A_447 = arith.constant 176 : index
            %get3A_448 = tpu.vector_load %arg8[%get3A_446, %get3A_447] {strides = array<i32>} : memref<120x256xf32, #tpu.memory_space<vmem>>, vector<1x16xf32>,
            %get3A_449 = vector.shape_cast %get3A_448 : vector<1x16xf32> to vector<16xf32>
            %get3A_450 = arith.index_cast %scan3A_260 : i32 to index
            %get3A_451 = arith.constant 176 : index
            %get3A_452 = tpu.vector_load %arg9[%get3A_450, %get3A_451] {strides = array<i32>} : memref<120x256xf32, #tpu.memory_space<vmem>>, vector<1x16xf32>,
            %get3A_453 = vector.shape_cast %get3A_452 : vector<1x16xf32> to vector<16xf32>
            %add3A_454 = arith.addf %get3A_449, %get3A_453 : vector<16xf32>
            %mul3A_455 = arith.constant 5.000000e-01 : f32
            %mul3A_456 = vector.broadcast %mul3A_455 : f32 to vector<16xf32>
            %mul3A_457 = arith.mulf %add3A_454, %mul3A_456 : vector<16xf32>
            %swap3A_458 = arith.index_cast %scan3A_260 : i32 to index
            %swap3A_459 = arith.constant 176 : index
            %swap3A_460 = tpu.vector_load %arg8[%swap3A_458, %swap3A_459] {strides = array<i32>} : memref<120x256xf32, #tpu.memory_space<vmem>>, vector<1x16xf32>,
            %swap3A_461 = vector.shape_cast %swap3A_460 : vector<1x16xf32> to vector<16xf32>
            %swap3A_462 = vector.shape_cast %mul3A_457 : vector<16xf32> to vector<1x16xf32>
            tpu.vector_store %arg8[%swap3A_458, %swap3A_459], %swap3A_462 {strides = array<i32>} : memref<120x256xf32, #tpu.memory_space<vmem>>, vector<1x16xf32>,
            %get3A_463 = arith.index_cast %scan3A_260 : i32 to index
            %get3A_464 = arith.constant 192 : index
            %get3A_465 = tpu.vector_load %arg8[%get3A_463, %get3A_464] {strides = array<i32>} : memref<120x256xf32, #tpu.memory_space<vmem>>, vector<1x16xf32>,
            %get3A_466 = vector.shape_cast %get3A_465 : vector<1x16xf32> to vector<16xf32>
            %get3A_467 = arith.index_cast %scan3A_260 : i32 to index
            %get3A_468 = arith.constant 192 : index
            %get3A_469 = tpu.vector_load %arg9[%get3A_467, %get3A_468] {strides = array<i32>} : memref<120x256xf32, #tpu.memory_space<vmem>>, vector<1x16xf32>,
            %get3A_470 = vector.shape_cast %get3A_469 : vector<1x16xf32> to vector<16xf32>
            %add3A_471 = arith.addf %get3A_466, %get3A_470 : vector<16xf32>
            %mul3A_472 = arith.constant 5.000000e-01 : f32
            %mul3A_473 = vector.broadcast %mul3A_472 : f32 to vector<16xf32>
            %mul3A_474 = arith.mulf %add3A_471, %mul3A_473 : vector<16xf32>
            %swap3A_475 = arith.index_cast %scan3A_260 : i32 to index
            %swap3A_476 = arith.constant 192 : index
            %swap3A_477 = tpu.vector_load %arg8[%swap3A_475, %swap3A_476] {strides = array<i32>} : memref<120x256xf32, #tpu.memory_space<vmem>>, vector<1x16xf32>,
            %swap3A_478 = vector.shape_cast %swap3A_477 : vector<1x16xf32> to vector<16xf32>
            %swap3A_479 = vector.shape_cast %mul3A_474 : vector<16xf32> to vector<1x16xf32>
            tpu.vector_store %arg8[%swap3A_475, %swap3A_476], %swap3A_479 {strides = array<i32>} : memref<120x256xf32, #tpu.memory_space<vmem>>, vector<1x16xf32>,
            %get3A_480 = arith.index_cast %scan3A_260 : i32 to index
            %get3A_481 = arith.constant 208 : index
            %get3A_482 = tpu.vector_load %arg8[%get3A_480, %get3A_481] {strides = array<i32>} : memref<120x256xf32, #tpu.memory_space<vmem>>, vector<1x16xf32>,
            %get3A_483 = vector.shape_cast %get3A_482 : vector<1x16xf32> to vector<16xf32>
            %get3A_484 = arith.index_cast %scan3A_260 : i32 to index
            %get3A_485 = arith.constant 208 : index
            %get3A_486 = tpu.vector_load %arg9[%get3A_484, %get3A_485] {strides = array<i32>} : memref<120x256xf32, #tpu.memory_space<vmem>>, vector<1x16xf32>,
            %get3A_487 = vector.shape_cast %get3A_486 : vector<1x16xf32> to vector<16xf32>
            %add3A_488 = arith.addf %get3A_483, %get3A_487 : vector<16xf32>
            %mul3A_489 = arith.constant 5.000000e-01 : f32
            %mul3A_490 = vector.broadcast %mul3A_489 : f32 to vector<16xf32>
            %mul3A_491 = arith.mulf %add3A_488, %mul3A_490 : vector<16xf32>
            %swap3A_492 = arith.index_cast %scan3A_260 : i32 to index
            %swap3A_493 = arith.constant 208 : index
            %swap3A_494 = tpu.vector_load %arg8[%swap3A_492, %swap3A_493] {strides = array<i32>} : memref<120x256xf32, #tpu.memory_space<vmem>>, vector<1x16xf32>,
            %swap3A_495 = vector.shape_cast %swap3A_494 : vector<1x16xf32> to vector<16xf32>
            %swap3A_496 = vector.shape_cast %mul3A_491 : vector<16xf32> to vector<1x16xf32>
            tpu.vector_store %arg8[%swap3A_492, %swap3A_493], %swap3A_496 {strides = array<i32>} : memref<120x256xf32, #tpu.memory_space<vmem>>, vector<1x16xf32>,
            %get3A_497 = arith.index_cast %scan3A_260 : i32 to index
            %get3A_498 = arith.constant 224 : index
            %get3A_499 = tpu.vector_load %arg8[%get3A_497, %get3A_498] {strides = array<i32>} : memref<120x256xf32, #tpu.memory_space<vmem>>, vector<1x16xf32>,
            %get3A_500 = vector.shape_cast %get3A_499 : vector<1x16xf32> to vector<16xf32>
            %get3A_501 = arith.index_cast %scan3A_260 : i32 to index
            %get3A_502 = arith.constant 224 : index
            %get3A_503 = tpu.vector_load %arg9[%get3A_501, %get3A_502] {strides = array<i32>} : memref<120x256xf32, #tpu.memory_space<vmem>>, vector<1x16xf32>,
            %get3A_504 = vector.shape_cast %get3A_503 : vector<1x16xf32> to vector<16xf32>
            %add3A_505 = arith.addf %get3A_500, %get3A_504 : vector<16xf32>
            %mul3A_506 = arith.constant 5.000000e-01 : f32
            %mul3A_507 = vector.broadcast %mul3A_506 : f32 to vector<16xf32>
            %mul3A_508 = arith.mulf %add3A_505, %mul3A_507 : vector<16xf32>
            %swap3A_509 = arith.index_cast %scan3A_260 : i32 to index
            %swap3A_510 = arith.constant 224 : index
            %swap3A_511 = tpu.vector_load %arg8[%swap3A_509, %swap3A_510] {strides = array<i32>} : memref<120x256xf32, #tpu.memory_space<vmem>>, vector<1x16xf32>,
            %swap3A_512 = vector.shape_cast %swap3A_511 : vector<1x16xf32> to vector<16xf32>
            %swap3A_513 = vector.shape_cast %mul3A_508 : vector<16xf32> to vector<1x16xf32>
            tpu.vector_store %arg8[%swap3A_509, %swap3A_510], %swap3A_513 {strides = array<i32>} : memref<120x256xf32, #tpu.memory_space<vmem>>, vector<1x16xf32>,
            %get3A_514 = arith.index_cast %scan3A_260 : i32 to index
            %get3A_515 = arith.constant 240 : index
            %get3A_516 = tpu.vector_load %arg8[%get3A_514, %get3A_515] {strides = array<i32>} : memref<120x256xf32, #tpu.memory_space<vmem>>, vector<1x16xf32>,
            %get3A_517 = vector.shape_cast %get3A_516 : vector<1x16xf32> to vector<16xf32>
            %get3A_518 = arith.index_cast %scan3A_260 : i32 to index
            %get3A_519 = arith.constant 240 : index
            %get3A_520 = tpu.vector_load %arg9[%get3A_518, %get3A_519] {strides = array<i32>} : memref<120x256xf32, #tpu.memory_space<vmem>>, vector<1x16xf32>,
            %get3A_521 = vector.shape_cast %get3A_520 : vector<1x16xf32> to vector<16xf32>
            %add3A_522 = arith.addf %get3A_517, %get3A_521 : vector<16xf32>
            %mul3A_523 = arith.constant 5.000000e-01 : f32
            %mul3A_524 = vector.broadcast %mul3A_523 : f32 to vector<16xf32>
            %mul3A_525 = arith.mulf %add3A_522, %mul3A_524 : vector<16xf32>
            %swap3A_526 = arith.index_cast %scan3A_260 : i32 to index
            %swap3A_527 = arith.constant 240 : index
            %swap3A_528 = tpu.vector_load %arg8[%swap3A_526, %swap3A_527] {strides = array<i32>} : memref<120x256xf32, #tpu.memory_space<vmem>>, vector<1x16xf32>,
            %swap3A_529 = vector.shape_cast %swap3A_528 : vector<1x16xf32> to vector<16xf32>
            %swap3A_530 = vector.shape_cast %mul3A_525 : vector<16xf32> to vector<1x16xf32>
            tpu.vector_store %arg8[%swap3A_526, %swap3A_527], %swap3A_530 {strides = array<i32>} : memref<120x256xf32, #tpu.memory_space<vmem>>, vector<1x16xf32>,
          }
          %scan3A_259 = arith.constant 120 : i32
        } else {
        }
        %mul3A_236 = arith.constant 32 : i32
        %mul3A_237 = arith.muli %scan3A_147, %mul3A_236 : i32
        %add3A_238 = arith.addi %add3A, %mul3A_237 : i32
        %mul3A_239 = arith.constant 120 : i32
        %mul3A_240 = arith.muli %add3A_238, %mul3A_239 : i32
        %min3A_241 = arith.constant 169880 : i32
        %min3A_242 = arith.minsi %mul3A_240, %min3A_241 : i32
        %dma_start3A_243 = arith.constant 0 : i32
        %dma_start3A_244 = tpu.memref_slice %arg5[%min3A_242, %dma_start3A_243] : memref<170000x256xf32, #tpu.memory_space<hbm>> -> memref<120x256xf32, #tpu.memory_space<hbm>>
        %dma_start3A_245 = arith.constant 0 : i32
        %dma_start3A_246 = tpu.memref_slice %arg5[%min3A_242, %dma_start3A_245] : memref<170000x256xf32, #tpu.memory_space<hbm>> -> memref<120x256xf32, #tpu.memory_space<hbm>>
        tpu.enqueue_dma source(%arg8 : memref<120x256xf32, #tpu.memory_space<vmem>>) target(%dma_start3A_246 : memref<120x256xf32, #tpu.memory_space<hbm>>) target_semaphore(%arg16 : memref<!tpu.dma_semaphore, #tpu.memory_space<semaphore_mem>>)
        %add3A_247 = arith.constant 2 : i32
        %add3A_248 = arith.addi %scan3A_147, %add3A_247 : i32
        %lt3A_249 = arith.constant 45 : i32
        %lt3A_250 = arith.cmpi slt, %add3A_248, %lt3A_249 : i32
        %convert_element_type3A_251 = arith.extui %lt3A_250 : i1 to i32
        %cond3A_252 = arith.constant 0 : i32
        %cond3A_253 = arith.cmpi ne, %convert_element_type3A_251, %cond3A_252 : i32
        scf.if %cond3A_253 {
          %mul3A_254 = arith.constant 32 : i32
          %mul3A_255 = arith.muli %scan3A_147, %mul3A_254 : i32
          %add3A_256 = arith.addi %add3A, %mul3A_255 : i32
          %mul3A_257 = arith.constant 120 : i32
          %mul3A_258 = arith.muli %add3A_256, %mul3A_257 : i32
          %min3A_259 = arith.constant 169880 : i32
          %min3A_260 = arith.minsi %mul3A_258, %min3A_259 : i32
          %dma_wait3A_261 = arith.constant 0 : i32
          %dma_wait3A_262 = tpu.memref_slice %arg5[%min3A_260, %dma_wait3A_261] : memref<170000x256xf32, #tpu.memory_space<hbm>> -> memref<120x256xf32, #tpu.memory_space<hbm>>
          %dma_wait3A_263 = arith.constant 0 : i32
          %dma_wait3A_264 = tpu.memref_slice %arg5[%min3A_260, %dma_wait3A_263] : memref<170000x256xf32, #tpu.memory_space<hbm>> -> memref<120x256xf32, #tpu.memory_space<hbm>>
          tpu.wait_dma2 semaphore(%arg16 : memref<!tpu.dma_semaphore, #tpu.memory_space<semaphore_mem>>) src(%arg8 : memref<120x256xf32, #tpu.memory_space<vmem>>) dst(%dma_wait3A_264 : memref<120x256xf32, #tpu.memory_space<hbm>>)
          %add3A_265 = arith.constant 2 : i32
          %add3A_266 = arith.addi %scan3A_147, %add3A_265 : i32
          %mul3A_267 = arith.constant 32 : i32
          %mul3A_268 = arith.muli %add3A_266, %mul3A_267 : i32
          %add3A_269 = arith.addi %add3A, %mul3A_268 : i32
          %mul3A_270 = arith.constant 120 : i32
          %mul3A_271 = arith.muli %add3A_269, %mul3A_270 : i32
          %min3A_272 = arith.constant 169880 : i32
          %min3A_273 = arith.minsi %mul3A_271, %min3A_272 : i32
          %dma_wait3A_274 = arith.constant 0 : i32
          %dma_wait3A_275 = tpu.memref_slice %arg6[%dma_wait3A_274] : memref<240xi32, #tpu.memory_space<vmem>> -> memref<120xi32, #tpu.memory_space<vmem>>
          %dma_wait3A_276 = tpu.memref_slice %arg3[%min3A_273] : memref<170000xi32, #tpu.memory_space<hbm>> -> memref<120xi32, #tpu.memory_space<hbm>>
          %dma_wait3A_277 = arith.constant 0 : i32
          %dma_wait3A_278 = tpu.memref_slice %arg6[%dma_wait3A_277] : memref<240xi32, #tpu.memory_space<vmem>> -> memref<120xi32, #tpu.memory_space<vmem>>
          %dma_wait3A_279 = tpu.memref_slice %arg3[%min3A_273] : memref<170000xi32, #tpu.memory_space<hbm>> -> memref<120xi32, #tpu.memory_space<hbm>>
          tpu.wait_dma2 semaphore(%arg12 : memref<!tpu.dma_semaphore, #tpu.memory_space<semaphore_mem>>) src(%dma_wait3A_279 : memref<120xi32, #tpu.memory_space<hbm>>) dst(%dma_wait3A_278 : memref<120xi32, #tpu.memory_space<vmem>>)
          %dma_wait3A_280 = arith.constant 120 : i32
          %dma_wait3A_281 = tpu.memref_slice %arg6[%dma_wait3A_280] : memref<240xi32, #tpu.memory_space<vmem>> -> memref<120xi32, #tpu.memory_space<vmem>>
          %dma_wait3A_282 = tpu.memref_slice %arg4[%min3A_273] : memref<170000xi32, #tpu.memory_space<hbm>> -> memref<120xi32, #tpu.memory_space<hbm>>
          %dma_wait3A_283 = arith.constant 120 : i32
          %dma_wait3A_284 = tpu.memref_slice %arg6[%dma_wait3A_283] : memref<240xi32, #tpu.memory_space<vmem>> -> memref<120xi32, #tpu.memory_space<vmem>>
          %dma_wait3A_285 = tpu.memref_slice %arg4[%min3A_273] : memref<170000xi32, #tpu.memory_space<hbm>> -> memref<120xi32, #tpu.memory_space<hbm>>
          tpu.wait_dma2 semaphore(%arg12 : memref<!tpu.dma_semaphore, #tpu.memory_space<semaphore_mem>>) src(%dma_wait3A_285 : memref<120xi32, #tpu.memory_space<hbm>>) dst(%dma_wait3A_284 : memref<120xi32, #tpu.memory_space<vmem>>)
          %add3A_286 = arith.constant 2 : i32
          %add3A_287 = arith.addi %scan3A_147, %add3A_286 : i32
          %mul3A_288 = arith.constant 32 : i32
          %mul3A_289 = arith.muli %add3A_287, %mul3A_288 : i32
          %add3A_290 = arith.addi %add3A, %mul3A_289 : i32
          %mul3A_291 = arith.constant 120 : i32
          %mul3A_292 = arith.muli %add3A_290, %mul3A_291 : i32
          %min3A_293 = arith.constant 169880 : i32
          %min3A_294 = arith.minsi %mul3A_292, %min3A_293 : i32
          %add3A_295 = arith.constant 120 : i32
          %add3A_296 = arith.addi %min3A_294, %add3A_295 : i32
          %le3A_297 = arith.constant 10000 : i32
          %le3A_298 = arith.cmpi sle, %add3A_296, %le3A_297 : i32
          %convert_element_type3A_299 = arith.extui %le3A_298 : i1 to i32
          %cond3A_300 = arith.constant 0 : i32
          %cond3A_301 = arith.cmpi ne, %convert_element_type3A_299, %cond3A_300 : i32
          scf.if %cond3A_301 {
            %mul3A_318 = arith.constant 32 : i32
            %mul3A_319 = arith.muli %add3A_287, %mul3A_318 : i32
            %add3A_320 = arith.addi %add3A, %mul3A_319 : i32
            %mul3A_321 = arith.constant 120 : i32
            %mul3A_322 = arith.muli %add3A_320, %mul3A_321 : i32
            %min3A_323 = arith.constant 169880 : i32
            %min3A_324 = arith.minsi %mul3A_322, %min3A_323 : i32
            %dma_start3A_325 = arith.constant 0 : i32
            %dma_start3A_326 = tpu.memref_slice %arg2[%min3A_324, %dma_start3A_325] : memref<10000x256xf32, #tpu.memory_space<hbm>> -> memref<120x256xf32, #tpu.memory_space<hbm>>
            %dma_start3A_327 = arith.constant 0 : i32
            %dma_start3A_328 = tpu.memref_slice %arg2[%min3A_324, %dma_start3A_327] : memref<10000x256xf32, #tpu.memory_space<hbm>> -> memref<120x256xf32, #tpu.memory_space<hbm>>
            tpu.enqueue_dma source(%dma_start3A_328 : memref<120x256xf32, #tpu.memory_space<hbm>>) target(%arg8 : memref<120x256xf32, #tpu.memory_space<vmem>>) target_semaphore(%arg14 : memref<!tpu.dma_semaphore, #tpu.memory_space<semaphore_mem>>)
          } else {
          }
          %mul3A_302 = arith.constant 32 : i32
          %mul3A_303 = arith.muli %add3A_287, %mul3A_302 : i32
          %add3A_304 = arith.addi %add3A, %mul3A_303 : i32
          %mul3A_305 = arith.constant 120 : i32
          %mul3A_306 = arith.muli %add3A_304, %mul3A_305 : i32
          %min3A_307 = arith.constant 169880 : i32
          %min3A_308 = arith.minsi %mul3A_306, %min3A_307 : i32
          %add3A_309 = arith.constant 120 : i32
          %add3A_310 = arith.addi %min3A_308, %add3A_309 : i32
          %le3A_311 = arith.constant 10000 : i32
          %le3A_312 = arith.cmpi sle, %add3A_310, %le3A_311 : i32
          %not3A_313 = arith.constant true
          %not3A_314 = arith.xori %le3A_312, %not3A_313 : i1
          %convert_element_type3A_315 = arith.extui %not3A_314 : i1 to i32
          %cond3A_316 = arith.constant 0 : i32
          %cond3A_317 = arith.cmpi ne, %convert_element_type3A_315, %cond3A_316 : i32
          scf.if %cond3A_317 {
            %dma_start3A_318 = arith.constant 0 : i32
            %dma_start3A_319 = arith.constant 0 : i32
            %dma_start3A_320 = tpu.memref_slice %arg8[%dma_start3A_318, %dma_start3A_319] : memref<120x256xf32, #tpu.memory_space<vmem>> -> memref<64x256xf32, #tpu.memory_space<vmem>>
            %dma_start3A_321 = arith.constant 0 : i32
            %dma_start3A_322 = tpu.memref_slice %arg6[%dma_start3A_321] : memref<240xi32, #tpu.memory_space<vmem>> -> memref<64xi32, #tpu.memory_space<vmem>>
            %dma_start3A_323 = arith.constant 0 : i32
            %dma_start3A_324 = arith.constant 0 : i32
            %dma_start3A_325 = tpu.memref_slice %arg2[%dma_start3A_323, %dma_start3A_324] : memref<10000x256xf32, #tpu.memory_space<hbm>> -> memref<10000x256xf32, #tpu.memory_space<hbm>>
            tpu.enqueue_indirect_dma source(%dma_start3A_325 : memref<10000x256xf32, #tpu.memory_space<hbm>>) target(%dma_start3A_320 : memref<64x256xf32, #tpu.memory_space<vmem>>) offsets(%dma_start3A_322 : memref<64xi32, #tpu.memory_space<vmem>>) semaphore(%arg14 : memref<!tpu.dma_semaphore, #tpu.memory_space<semaphore_mem>>)
            %dma_start3A_326 = arith.constant 64 : i32
            %dma_start3A_327 = arith.constant 0 : i32
            %dma_start3A_328 = tpu.memref_slice %arg8[%dma_start3A_326, %dma_start3A_327] : memref<120x256xf32, #tpu.memory_space<vmem>> -> memref<56x256xf32, #tpu.memory_space<vmem>>
            %dma_start3A_329 = arith.constant 64 : i32
            %dma_start3A_330 = tpu.memref_slice %arg6[%dma_start3A_329] : memref<240xi32, #tpu.memory_space<vmem>> -> memref<56xi32, #tpu.memory_space<vmem>>
            %dma_start3A_331 = arith.constant 0 : i32
            %dma_start3A_332 = arith.constant 0 : i32
            %dma_start3A_333 = tpu.memref_slice %arg2[%dma_start3A_331, %dma_start3A_332] : memref<10000x256xf32, #tpu.memory_space<hbm>> -> memref<10000x256xf32, #tpu.memory_space<hbm>>
            tpu.enqueue_indirect_dma source(%dma_start3A_333 : memref<10000x256xf32, #tpu.memory_space<hbm>>) target(%dma_start3A_328 : memref<56x256xf32, #tpu.memory_space<vmem>>) offsets(%dma_start3A_330 : memref<56xi32, #tpu.memory_space<vmem>>) semaphore(%arg14 : memref<!tpu.dma_semaphore, #tpu.memory_space<semaphore_mem>>)
            %dma_start3A_334 = arith.constant 0 : i32
            %dma_start3A_335 = arith.constant 0 : i32
            %dma_start3A_336 = tpu.memref_slice %arg9[%dma_start3A_334, %dma_start3A_335] : memref<120x256xf32, #tpu.memory_space<vmem>> -> memref<64x256xf32, #tpu.memory_space<vmem>>
            %dma_start3A_337 = arith.constant 120 : i32
            %dma_start3A_338 = tpu.memref_slice %arg6[%dma_start3A_337] : memref<240xi32, #tpu.memory_space<vmem>> -> memref<64xi32, #tpu.memory_space<vmem>>
            %dma_start3A_339 = arith.constant 0 : i32
            %dma_start3A_340 = arith.constant 0 : i32
            %dma_start3A_341 = tpu.memref_slice %arg2[%dma_start3A_339, %dma_start3A_340] : memref<10000x256xf32, #tpu.memory_space<hbm>> -> memref<10000x256xf32, #tpu.memory_space<hbm>>
            tpu.enqueue_indirect_dma source(%dma_start3A_341 : memref<10000x256xf32, #tpu.memory_space<hbm>>) target(%dma_start3A_336 : memref<64x256xf32, #tpu.memory_space<vmem>>) offsets(%dma_start3A_338 : memref<64xi32, #tpu.memory_space<vmem>>) semaphore(%arg14 : memref<!tpu.dma_semaphore, #tpu.memory_space<semaphore_mem>>)
            %dma_start3A_342 = arith.constant 64 : i32
            %dma_start3A_343 = arith.constant 0 : i32
            %dma_start3A_344 = tpu.memref_slice %arg9[%dma_start3A_342, %dma_start3A_343] : memref<120x256xf32, #tpu.memory_space<vmem>> -> memref<56x256xf32, #tpu.memory_space<vmem>>
            %dma_start3A_345 = arith.constant 184 : i32
            %dma_start3A_346 = tpu.memref_slice %arg6[%dma_start3A_345] : memref<240xi32, #tpu.memory_space<vmem>> -> memref<56xi32, #tpu.memory_space<vmem>>
            %dma_start3A_347 = arith.constant 0 : i32
            %dma_start3A_348 = arith.constant 0 : i32
            %dma_start3A_349 = tpu.memref_slice %arg2[%dma_start3A_347, %dma_start3A_348] : memref<10000x256xf32, #tpu.memory_space<hbm>> -> memref<10000x256xf32, #tpu.memory_space<hbm>>
            tpu.enqueue_indirect_dma source(%dma_start3A_349 : memref<10000x256xf32, #tpu.memory_space<hbm>>) target(%dma_start3A_344 : memref<56x256xf32, #tpu.memory_space<vmem>>) offsets(%dma_start3A_346 : memref<56xi32, #tpu.memory_space<vmem>>) semaphore(%arg14 : memref<!tpu.dma_semaphore, #tpu.memory_space<semaphore_mem>>)
          } else {
          }
        } else {
        }
      } else {
      }
      %jit3A_162 = arith.constant 2 : i32
      %eq3A_163 = arith.constant 0 : i32
      %eq3A_164 = arith.cmpi eq, %jit3A_162, %eq3A_163 : i32
      %jit3A_165 = arith.constant 1 : i32
      %select_n3A_166 = arith.select %eq3A_164, %jit3A_165, %jit3A_162 : i32
      %rem3A_167 = arith.remsi %scan3A_147, %select_n3A_166 : i32
      %ne3A_168 = arith.constant 0 : i32
      %ne3A_169 = arith.cmpi ne, %rem3A_167, %ne3A_168 : i32
      %lt3A_170 = arith.constant 0 : i32
      %lt3A_171 = arith.cmpi slt, %rem3A_167, %lt3A_170 : i32
      %lt3A_172 = arith.constant 0 : i32
      %lt3A_173 = arith.cmpi slt, %select_n3A_166, %lt3A_172 : i32
      %ne3A_174 = arith.xori %lt3A_171, %lt3A_173 : i1
      %and3A_175 = arith.andi %ne3A_174, %ne3A_169 : i1
      %add3A_176 = arith.addi %rem3A_167, %select_n3A_166 : i32
      %select_n3A_177 = arith.select %and3A_175, %add3A_176, %rem3A_167 : i32
      %eq3A_178 = arith.constant 1 : i32
      %eq3A_179 = arith.cmpi eq, %select_n3A_177, %eq3A_178 : i32
      %convert_element_type3A_180 = arith.extui %eq3A_179 : i1 to i32
      %cond3A_181 = arith.constant 0 : i32
      %cond3A_182 = arith.cmpi ne, %convert_element_type3A_180, %cond3A_181 : i32
      scf.if %cond3A_182 {
        %mul3A_183 = arith.constant 32 : i32
        %mul3A_184 = arith.muli %scan3A_147, %mul3A_183 : i32
        %add3A_185 = arith.addi %add3A, %mul3A_184 : i32
        %mul3A_186 = arith.constant 120 : i32
        %mul3A_187 = arith.muli %add3A_185, %mul3A_186 : i32
        %min3A_188 = arith.constant 169880 : i32
        %min3A_189 = arith.minsi %mul3A_187, %min3A_188 : i32
        %add3A_190 = arith.constant 120 : i32
        %add3A_191 = arith.addi %min3A_189, %add3A_190 : i32
        %le3A_192 = arith.constant 10000 : i32
        %le3A_193 = arith.cmpi sle, %add3A_191, %le3A_192 : i32
        %convert_element_type3A_194 = arith.extui %le3A_193 : i1 to i32
        %cond3A_195 = arith.constant 0 : i32
        %cond3A_196 = arith.cmpi ne, %convert_element_type3A_194, %cond3A_195 : i32
        scf.if %cond3A_196 {
          %mul3A_254 = arith.constant 32 : i32
          %mul3A_255 = arith.muli %scan3A_147, %mul3A_254 : i32
          %add3A_256 = arith.addi %add3A, %mul3A_255 : i32
          %mul3A_257 = arith.constant 120 : i32
          %mul3A_258 = arith.muli %add3A_256, %mul3A_257 : i32
          %min3A_259 = arith.constant 169880 : i32
          %min3A_260 = arith.minsi %mul3A_258, %min3A_259 : i32
          %dma_wait3A_261 = arith.constant 0 : i32
          %dma_wait3A_262 = tpu.memref_slice %arg2[%min3A_260, %dma_wait3A_261] : memref<10000x256xf32, #tpu.memory_space<hbm>> -> memref<120x256xf32, #tpu.memory_space<hbm>>
          %dma_wait3A_263 = arith.constant 0 : i32
          %dma_wait3A_264 = tpu.memref_slice %arg2[%min3A_260, %dma_wait3A_263] : memref<10000x256xf32, #tpu.memory_space<hbm>> -> memref<120x256xf32, #tpu.memory_space<hbm>>
          tpu.wait_dma2 semaphore(%arg15 : memref<!tpu.dma_semaphore, #tpu.memory_space<semaphore_mem>>) src(%dma_wait3A_264 : memref<120x256xf32, #tpu.memory_space<hbm>>) dst(%arg10 : memref<120x256xf32, #tpu.memory_space<vmem>>)
        } else {
        }
        %mul3A_197 = arith.constant 32 : i32
        %mul3A_198 = arith.muli %scan3A_147, %mul3A_197 : i32
        %add3A_199 = arith.addi %add3A, %mul3A_198 : i32
        %mul3A_200 = arith.constant 120 : i32
        %mul3A_201 = arith.muli %add3A_199, %mul3A_200 : i32
        %min3A_202 = arith.constant 169880 : i32
        %min3A_203 = arith.minsi %mul3A_201, %min3A_202 : i32
        %add3A_204 = arith.constant 120 : i32
        %add3A_205 = arith.addi %min3A_203, %add3A_204 : i32
        %le3A_206 = arith.constant 10000 : i32
        %le3A_207 = arith.cmpi sle, %add3A_205, %le3A_206 : i32
        %not3A_208 = arith.constant true
        %not3A_209 = arith.xori %le3A_207, %not3A_208 : i1
        %convert_element_type3A_210 = arith.extui %not3A_209 : i1 to i32
        %cond3A_211 = arith.constant 0 : i32
        %cond3A_212 = arith.cmpi ne, %convert_element_type3A_210, %cond3A_211 : i32
        scf.if %cond3A_212 {
          %dma_wait3A_254 = arith.constant 0 : i32
          %dma_wait3A_255 = arith.constant 0 : i32
          %dma_wait3A_256 = tpu.memref_slice %arg10[%dma_wait3A_254, %dma_wait3A_255] : memref<120x256xf32, #tpu.memory_space<vmem>> -> memref<64x256xf32, #tpu.memory_space<vmem>>
          %dma_wait3A_257 = arith.constant 0 : i32
          %dma_wait3A_258 = tpu.memref_slice %arg7[%dma_wait3A_257] : memref<240xi32, #tpu.memory_space<vmem>> -> memref<64xi32, #tpu.memory_space<vmem>>
          %dma_wait3A_259 = arith.constant 0 : i32
          %dma_wait3A_260 = arith.constant 0 : i32
          %dma_wait3A_261 = tpu.memref_slice %arg2[%dma_wait3A_259, %dma_wait3A_260] : memref<10000x256xf32, #tpu.memory_space<hbm>> -> memref<10000x256xf32, #tpu.memory_space<hbm>>
          tpu.wait_indirect_dma semaphore(%arg15 : memref<!tpu.dma_semaphore, #tpu.memory_space<semaphore_mem>>) src(%dma_wait3A_261 : memref<10000x256xf32, #tpu.memory_space<hbm>>) dst(%dma_wait3A_256 : memref<64x256xf32, #tpu.memory_space<vmem>>)
          %dma_wait3A_262 = arith.constant 64 : i32
          %dma_wait3A_263 = arith.constant 0 : i32
          %dma_wait3A_264 = tpu.memref_slice %arg10[%dma_wait3A_262, %dma_wait3A_263] : memref<120x256xf32, #tpu.memory_space<vmem>> -> memref<56x256xf32, #tpu.memory_space<vmem>>
          %dma_wait3A_265 = arith.constant 64 : i32
          %dma_wait3A_266 = tpu.memref_slice %arg7[%dma_wait3A_265] : memref<240xi32, #tpu.memory_space<vmem>> -> memref<56xi32, #tpu.memory_space<vmem>>
          %dma_wait3A_267 = arith.constant 0 : i32
          %dma_wait3A_268 = arith.constant 0 : i32
          %dma_wait3A_269 = tpu.memref_slice %arg2[%dma_wait3A_267, %dma_wait3A_268] : memref<10000x256xf32, #tpu.memory_space<hbm>> -> memref<10000x256xf32, #tpu.memory_space<hbm>>
          tpu.wait_indirect_dma semaphore(%arg15 : memref<!tpu.dma_semaphore, #tpu.memory_space<semaphore_mem>>) src(%dma_wait3A_269 : memref<10000x256xf32, #tpu.memory_space<hbm>>) dst(%dma_wait3A_264 : memref<56x256xf32, #tpu.memory_space<vmem>>)
          %dma_wait3A_270 = arith.constant 0 : i32
          %dma_wait3A_271 = arith.constant 0 : i32
          %dma_wait3A_272 = tpu.memref_slice %arg11[%dma_wait3A_270, %dma_wait3A_271] : memref<120x256xf32, #tpu.memory_space<vmem>> -> memref<64x256xf32, #tpu.memory_space<vmem>>
          %dma_wait3A_273 = arith.constant 120 : i32
          %dma_wait3A_274 = tpu.memref_slice %arg7[%dma_wait3A_273] : memref<240xi32, #tpu.memory_space<vmem>> -> memref<64xi32, #tpu.memory_space<vmem>>
          %dma_wait3A_275 = arith.constant 0 : i32
          %dma_wait3A_276 = arith.constant 0 : i32
          %dma_wait3A_277 = tpu.memref_slice %arg2[%dma_wait3A_275, %dma_wait3A_276] : memref<10000x256xf32, #tpu.memory_space<hbm>> -> memref<10000x256xf32, #tpu.memory_space<hbm>>
          tpu.wait_indirect_dma semaphore(%arg15 : memref<!tpu.dma_semaphore, #tpu.memory_space<semaphore_mem>>) src(%dma_wait3A_277 : memref<10000x256xf32, #tpu.memory_space<hbm>>) dst(%dma_wait3A_272 : memref<64x256xf32, #tpu.memory_space<vmem>>)
          %dma_wait3A_278 = arith.constant 64 : i32
          %dma_wait3A_279 = arith.constant 0 : i32
          %dma_wait3A_280 = tpu.memref_slice %arg11[%dma_wait3A_278, %dma_wait3A_279] : memref<120x256xf32, #tpu.memory_space<vmem>> -> memref<56x256xf32, #tpu.memory_space<vmem>>
          %dma_wait3A_281 = arith.constant 184 : i32
          %dma_wait3A_282 = tpu.memref_slice %arg7[%dma_wait3A_281] : memref<240xi32, #tpu.memory_space<vmem>> -> memref<56xi32, #tpu.memory_space<vmem>>
          %dma_wait3A_283 = arith.constant 0 : i32
          %dma_wait3A_284 = arith.constant 0 : i32
          %dma_wait3A_285 = tpu.memref_slice %arg2[%dma_wait3A_283, %dma_wait3A_284] : memref<10000x256xf32, #tpu.memory_space<hbm>> -> memref<10000x256xf32, #tpu.memory_space<hbm>>
          tpu.wait_indirect_dma semaphore(%arg15 : memref<!tpu.dma_semaphore, #tpu.memory_space<semaphore_mem>>) src(%dma_wait3A_285 : memref<10000x256xf32, #tpu.memory_space<hbm>>) dst(%dma_wait3A_280 : memref<56x256xf32, #tpu.memory_space<vmem>>)
        } else {
        }
        %add3A_213 = arith.constant 2 : i32
        %add3A_214 = arith.addi %scan3A_147, %add3A_213 : i32
        %lt3A_215 = arith.constant 45 : i32
        %lt3A_216 = arith.cmpi slt, %add3A_214, %lt3A_215 : i32
        %convert_element_type3A_217 = arith.extui %lt3A_216 : i1 to i32
        %cond3A_218 = arith.constant 0 : i32
        %cond3A_219 = arith.cmpi ne, %convert_element_type3A_217, %cond3A_218 : i32
        scf.if %cond3A_219 {
          %add3A_254 = arith.constant 2 : i32
          %add3A_255 = arith.addi %scan3A_147, %add3A_254 : i32
          %mul3A_256 = arith.constant 32 : i32
          %mul3A_257 = arith.muli %add3A_255, %mul3A_256 : i32
          %add3A_258 = arith.addi %add3A, %mul3A_257 : i32
          %mul3A_259 = arith.constant 120 : i32
          %mul3A_260 = arith.muli %add3A_258, %mul3A_259 : i32
          %min3A_261 = arith.constant 169880 : i32
          %min3A_262 = arith.minsi %mul3A_260, %min3A_261 : i32
          %dma_start3A_263 = arith.constant 0 : i32
          %dma_start3A_264 = tpu.memref_slice %arg7[%dma_start3A_263] : memref<240xi32, #tpu.memory_space<vmem>> -> memref<120xi32, #tpu.memory_space<vmem>>
          %dma_start3A_265 = tpu.memref_slice %arg3[%min3A_262] : memref<170000xi32, #tpu.memory_space<hbm>> -> memref<120xi32, #tpu.memory_space<hbm>>
          %dma_start3A_266 = arith.constant 0 : i32
          %dma_start3A_267 = tpu.memref_slice %arg7[%dma_start3A_266] : memref<240xi32, #tpu.memory_space<vmem>> -> memref<120xi32, #tpu.memory_space<vmem>>
          %dma_start3A_268 = tpu.memref_slice %arg3[%min3A_262] : memref<170000xi32, #tpu.memory_space<hbm>> -> memref<120xi32, #tpu.memory_space<hbm>>
          tpu.enqueue_dma source(%dma_start3A_268 : memref<120xi32, #tpu.memory_space<hbm>>) target(%dma_start3A_267 : memref<120xi32, #tpu.memory_space<vmem>>) target_semaphore(%arg13 : memref<!tpu.dma_semaphore, #tpu.memory_space<semaphore_mem>>)
          %dma_start3A_269 = arith.constant 120 : i32
          %dma_start3A_270 = tpu.memref_slice %arg7[%dma_start3A_269] : memref<240xi32, #tpu.memory_space<vmem>> -> memref<120xi32, #tpu.memory_space<vmem>>
          %dma_start3A_271 = tpu.memref_slice %arg4[%min3A_262] : memref<170000xi32, #tpu.memory_space<hbm>> -> memref<120xi32, #tpu.memory_space<hbm>>
          %dma_start3A_272 = arith.constant 120 : i32
          %dma_start3A_273 = tpu.memref_slice %arg7[%dma_start3A_272] : memref<240xi32, #tpu.memory_space<vmem>> -> memref<120xi32, #tpu.memory_space<vmem>>
          %dma_start3A_274 = tpu.memref_slice %arg4[%min3A_262] : memref<170000xi32, #tpu.memory_space<hbm>> -> memref<120xi32, #tpu.memory_space<hbm>>
          tpu.enqueue_dma source(%dma_start3A_274 : memref<120xi32, #tpu.memory_space<hbm>>) target(%dma_start3A_273 : memref<120xi32, #tpu.memory_space<vmem>>) target_semaphore(%arg13 : memref<!tpu.dma_semaphore, #tpu.memory_space<semaphore_mem>>)
        } else {
        }
        %mul3A_220 = arith.constant 32 : i32
        %mul3A_221 = arith.muli %scan3A_147, %mul3A_220 : i32
        %add3A_222 = arith.addi %add3A, %mul3A_221 : i32
        %mul3A_223 = arith.constant 120 : i32
        %mul3A_224 = arith.muli %add3A_222, %mul3A_223 : i32
        %min3A_225 = arith.constant 169880 : i32
        %min3A_226 = arith.minsi %mul3A_224, %min3A_225 : i32
        %add3A_227 = arith.constant 120 : i32
        %add3A_228 = arith.addi %min3A_226, %add3A_227 : i32
        %le3A_229 = arith.constant 10000 : i32
        %le3A_230 = arith.cmpi sle, %add3A_228, %le3A_229 : i32
        %not3A_231 = arith.constant true
        %not3A_232 = arith.xori %le3A_230, %not3A_231 : i1
        %convert_element_type3A_233 = arith.extui %not3A_232 : i1 to i32
        %cond3A_234 = arith.constant 0 : i32
        %cond3A_235 = arith.cmpi ne, %convert_element_type3A_233, %cond3A_234 : i32
        scf.if %cond3A_235 {
          %scan3A_254 = arith.constant 0 : i32
          %scan3A_255 = arith.constant 0 : i32
          %scan3A_256 = arith.constant 120 : i32
          %scan3A_257 = arith.addi %scan3A_255, %scan3A_256 : i32
          %scan3A_258 = arith.constant 1 : i32
          scf.for %scan3A_260 = %scan3A_255 to %scan3A_257 step %scan3A_258  : i32 {
            %get3A = arith.index_cast %scan3A_260 : i32 to index
            %get3A_261 = arith.constant 0 : index
            %get3A_262 = tpu.vector_load %arg10[%get3A, %get3A_261] {strides = array<i32>} : memref<120x256xf32, #tpu.memory_space<vmem>>, vector<1x16xf32>,
            %get3A_263 = vector.shape_cast %get3A_262 : vector<1x16xf32> to vector<16xf32>
            %get3A_264 = arith.index_cast %scan3A_260 : i32 to index
            %get3A_265 = arith.constant 0 : index
            %get3A_266 = tpu.vector_load %arg11[%get3A_264, %get3A_265] {strides = array<i32>} : memref<120x256xf32, #tpu.memory_space<vmem>>, vector<1x16xf32>,
            %get3A_267 = vector.shape_cast %get3A_266 : vector<1x16xf32> to vector<16xf32>
            %add3A_268 = arith.addf %get3A_263, %get3A_267 : vector<16xf32>
            %mul3A_269 = arith.constant 5.000000e-01 : f32
            %mul3A_270 = vector.broadcast %mul3A_269 : f32 to vector<16xf32>
            %mul3A_271 = arith.mulf %add3A_268, %mul3A_270 : vector<16xf32>
            %swap3A = arith.index_cast %scan3A_260 : i32 to index
            %swap3A_272 = arith.constant 0 : index
            %swap3A_273 = tpu.vector_load %arg10[%swap3A, %swap3A_272] {strides = array<i32>} : memref<120x256xf32, #tpu.memory_space<vmem>>, vector<1x16xf32>,
            %swap3A_274 = vector.shape_cast %swap3A_273 : vector<1x16xf32> to vector<16xf32>
            %swap3A_275 = vector.shape_cast %mul3A_271 : vector<16xf32> to vector<1x16xf32>
            tpu.vector_store %arg10[%swap3A, %swap3A_272], %swap3A_275 {strides = array<i32>} : memref<120x256xf32, #tpu.memory_space<vmem>>, vector<1x16xf32>,
            %get3A_276 = arith.index_cast %scan3A_260 : i32 to index
            %get3A_277 = arith.constant 16 : index
            %get3A_278 = tpu.vector_load %arg10[%get3A_276, %get3A_277] {strides = array<i32>} : memref<120x256xf32, #tpu.memory_space<vmem>>, vector<1x16xf32>,
            %get3A_279 = vector.shape_cast %get3A_278 : vector<1x16xf32> to vector<16xf32>
            %get3A_280 = arith.index_cast %scan3A_260 : i32 to index
            %get3A_281 = arith.constant 16 : index
            %get3A_282 = tpu.vector_load %arg11[%get3A_280, %get3A_281] {strides = array<i32>} : memref<120x256xf32, #tpu.memory_space<vmem>>, vector<1x16xf32>,
            %get3A_283 = vector.shape_cast %get3A_282 : vector<1x16xf32> to vector<16xf32>
            %add3A_284 = arith.addf %get3A_279, %get3A_283 : vector<16xf32>
            %mul3A_285 = arith.constant 5.000000e-01 : f32
            %mul3A_286 = vector.broadcast %mul3A_285 : f32 to vector<16xf32>
            %mul3A_287 = arith.mulf %add3A_284, %mul3A_286 : vector<16xf32>
            %swap3A_288 = arith.index_cast %scan3A_260 : i32 to index
            %swap3A_289 = arith.constant 16 : index
            %swap3A_290 = tpu.vector_load %arg10[%swap3A_288, %swap3A_289] {strides = array<i32>} : memref<120x256xf32, #tpu.memory_space<vmem>>, vector<1x16xf32>,
            %swap3A_291 = vector.shape_cast %swap3A_290 : vector<1x16xf32> to vector<16xf32>
            %swap3A_292 = vector.shape_cast %mul3A_287 : vector<16xf32> to vector<1x16xf32>
            tpu.vector_store %arg10[%swap3A_288, %swap3A_289], %swap3A_292 {strides = array<i32>} : memref<120x256xf32, #tpu.memory_space<vmem>>, vector<1x16xf32>,
            %get3A_293 = arith.index_cast %scan3A_260 : i32 to index
            %get3A_294 = arith.constant 32 : index
            %get3A_295 = tpu.vector_load %arg10[%get3A_293, %get3A_294] {strides = array<i32>} : memref<120x256xf32, #tpu.memory_space<vmem>>, vector<1x16xf32>,
            %get3A_296 = vector.shape_cast %get3A_295 : vector<1x16xf32> to vector<16xf32>
            %get3A_297 = arith.index_cast %scan3A_260 : i32 to index
            %get3A_298 = arith.constant 32 : index
            %get3A_299 = tpu.vector_load %arg11[%get3A_297, %get3A_298] {strides = array<i32>} : memref<120x256xf32, #tpu.memory_space<vmem>>, vector<1x16xf32>,
            %get3A_300 = vector.shape_cast %get3A_299 : vector<1x16xf32> to vector<16xf32>
            %add3A_301 = arith.addf %get3A_296, %get3A_300 : vector<16xf32>
            %mul3A_302 = arith.constant 5.000000e-01 : f32
            %mul3A_303 = vector.broadcast %mul3A_302 : f32 to vector<16xf32>
            %mul3A_304 = arith.mulf %add3A_301, %mul3A_303 : vector<16xf32>
            %swap3A_305 = arith.index_cast %scan3A_260 : i32 to index
            %swap3A_306 = arith.constant 32 : index
            %swap3A_307 = tpu.vector_load %arg10[%swap3A_305, %swap3A_306] {strides = array<i32>} : memref<120x256xf32, #tpu.memory_space<vmem>>, vector<1x16xf32>,
            %swap3A_308 = vector.shape_cast %swap3A_307 : vector<1x16xf32> to vector<16xf32>
            %swap3A_309 = vector.shape_cast %mul3A_304 : vector<16xf32> to vector<1x16xf32>
            tpu.vector_store %arg10[%swap3A_305, %swap3A_306], %swap3A_309 {strides = array<i32>} : memref<120x256xf32, #tpu.memory_space<vmem>>, vector<1x16xf32>,
            %get3A_310 = arith.index_cast %scan3A_260 : i32 to index
            %get3A_311 = arith.constant 48 : index
            %get3A_312 = tpu.vector_load %arg10[%get3A_310, %get3A_311] {strides = array<i32>} : memref<120x256xf32, #tpu.memory_space<vmem>>, vector<1x16xf32>,
            %get3A_313 = vector.shape_cast %get3A_312 : vector<1x16xf32> to vector<16xf32>
            %get3A_314 = arith.index_cast %scan3A_260 : i32 to index
            %get3A_315 = arith.constant 48 : index
            %get3A_316 = tpu.vector_load %arg11[%get3A_314, %get3A_315] {strides = array<i32>} : memref<120x256xf32, #tpu.memory_space<vmem>>, vector<1x16xf32>,
            %get3A_317 = vector.shape_cast %get3A_316 : vector<1x16xf32> to vector<16xf32>
            %add3A_318 = arith.addf %get3A_313, %get3A_317 : vector<16xf32>
            %mul3A_319 = arith.constant 5.000000e-01 : f32
            %mul3A_320 = vector.broadcast %mul3A_319 : f32 to vector<16xf32>
            %mul3A_321 = arith.mulf %add3A_318, %mul3A_320 : vector<16xf32>
            %swap3A_322 = arith.index_cast %scan3A_260 : i32 to index
            %swap3A_323 = arith.constant 48 : index
            %swap3A_324 = tpu.vector_load %arg10[%swap3A_322, %swap3A_323] {strides = array<i32>} : memref<120x256xf32, #tpu.memory_space<vmem>>, vector<1x16xf32>,
            %swap3A_325 = vector.shape_cast %swap3A_324 : vector<1x16xf32> to vector<16xf32>
            %swap3A_326 = vector.shape_cast %mul3A_321 : vector<16xf32> to vector<1x16xf32>
            tpu.vector_store %arg10[%swap3A_322, %swap3A_323], %swap3A_326 {strides = array<i32>} : memref<120x256xf32, #tpu.memory_space<vmem>>, vector<1x16xf32>,
            %get3A_327 = arith.index_cast %scan3A_260 : i32 to index
            %get3A_328 = arith.constant 64 : index
            %get3A_329 = tpu.vector_load %arg10[%get3A_327, %get3A_328] {strides = array<i32>} : memref<120x256xf32, #tpu.memory_space<vmem>>, vector<1x16xf32>,
            %get3A_330 = vector.shape_cast %get3A_329 : vector<1x16xf32> to vector<16xf32>
            %get3A_331 = arith.index_cast %scan3A_260 : i32 to index
            %get3A_332 = arith.constant 64 : index
            %get3A_333 = tpu.vector_load %arg11[%get3A_331, %get3A_332] {strides = array<i32>} : memref<120x256xf32, #tpu.memory_space<vmem>>, vector<1x16xf32>,
            %get3A_334 = vector.shape_cast %get3A_333 : vector<1x16xf32> to vector<16xf32>
            %add3A_335 = arith.addf %get3A_330, %get3A_334 : vector<16xf32>
            %mul3A_336 = arith.constant 5.000000e-01 : f32
            %mul3A_337 = vector.broadcast %mul3A_336 : f32 to vector<16xf32>
            %mul3A_338 = arith.mulf %add3A_335, %mul3A_337 : vector<16xf32>
            %swap3A_339 = arith.index_cast %scan3A_260 : i32 to index
            %swap3A_340 = arith.constant 64 : index
            %swap3A_341 = tpu.vector_load %arg10[%swap3A_339, %swap3A_340] {strides = array<i32>} : memref<120x256xf32, #tpu.memory_space<vmem>>, vector<1x16xf32>,
            %swap3A_342 = vector.shape_cast %swap3A_341 : vector<1x16xf32> to vector<16xf32>
            %swap3A_343 = vector.shape_cast %mul3A_338 : vector<16xf32> to vector<1x16xf32>
            tpu.vector_store %arg10[%swap3A_339, %swap3A_340], %swap3A_343 {strides = array<i32>} : memref<120x256xf32, #tpu.memory_space<vmem>>, vector<1x16xf32>,
            %get3A_344 = arith.index_cast %scan3A_260 : i32 to index
            %get3A_345 = arith.constant 80 : index
            %get3A_346 = tpu.vector_load %arg10[%get3A_344, %get3A_345] {strides = array<i32>} : memref<120x256xf32, #tpu.memory_space<vmem>>, vector<1x16xf32>,
            %get3A_347 = vector.shape_cast %get3A_346 : vector<1x16xf32> to vector<16xf32>
            %get3A_348 = arith.index_cast %scan3A_260 : i32 to index
            %get3A_349 = arith.constant 80 : index
            %get3A_350 = tpu.vector_load %arg11[%get3A_348, %get3A_349] {strides = array<i32>} : memref<120x256xf32, #tpu.memory_space<vmem>>, vector<1x16xf32>,
            %get3A_351 = vector.shape_cast %get3A_350 : vector<1x16xf32> to vector<16xf32>
            %add3A_352 = arith.addf %get3A_347, %get3A_351 : vector<16xf32>
            %mul3A_353 = arith.constant 5.000000e-01 : f32
            %mul3A_354 = vector.broadcast %mul3A_353 : f32 to vector<16xf32>
            %mul3A_355 = arith.mulf %add3A_352, %mul3A_354 : vector<16xf32>
            %swap3A_356 = arith.index_cast %scan3A_260 : i32 to index
            %swap3A_357 = arith.constant 80 : index
            %swap3A_358 = tpu.vector_load %arg10[%swap3A_356, %swap3A_357] {strides = array<i32>} : memref<120x256xf32, #tpu.memory_space<vmem>>, vector<1x16xf32>,
            %swap3A_359 = vector.shape_cast %swap3A_358 : vector<1x16xf32> to vector<16xf32>
            %swap3A_360 = vector.shape_cast %mul3A_355 : vector<16xf32> to vector<1x16xf32>
            tpu.vector_store %arg10[%swap3A_356, %swap3A_357], %swap3A_360 {strides = array<i32>} : memref<120x256xf32, #tpu.memory_space<vmem>>, vector<1x16xf32>,
            %get3A_361 = arith.index_cast %scan3A_260 : i32 to index
            %get3A_362 = arith.constant 96 : index
            %get3A_363 = tpu.vector_load %arg10[%get3A_361, %get3A_362] {strides = array<i32>} : memref<120x256xf32, #tpu.memory_space<vmem>>, vector<1x16xf32>,
            %get3A_364 = vector.shape_cast %get3A_363 : vector<1x16xf32> to vector<16xf32>
            %get3A_365 = arith.index_cast %scan3A_260 : i32 to index
            %get3A_366 = arith.constant 96 : index
            %get3A_367 = tpu.vector_load %arg11[%get3A_365, %get3A_366] {strides = array<i32>} : memref<120x256xf32, #tpu.memory_space<vmem>>, vector<1x16xf32>,
            %get3A_368 = vector.shape_cast %get3A_367 : vector<1x16xf32> to vector<16xf32>
            %add3A_369 = arith.addf %get3A_364, %get3A_368 : vector<16xf32>
            %mul3A_370 = arith.constant 5.000000e-01 : f32
            %mul3A_371 = vector.broadcast %mul3A_370 : f32 to vector<16xf32>
            %mul3A_372 = arith.mulf %add3A_369, %mul3A_371 : vector<16xf32>
            %swap3A_373 = arith.index_cast %scan3A_260 : i32 to index
            %swap3A_374 = arith.constant 96 : index
            %swap3A_375 = tpu.vector_load %arg10[%swap3A_373, %swap3A_374] {strides = array<i32>} : memref<120x256xf32, #tpu.memory_space<vmem>>, vector<1x16xf32>,
            %swap3A_376 = vector.shape_cast %swap3A_375 : vector<1x16xf32> to vector<16xf32>
            %swap3A_377 = vector.shape_cast %mul3A_372 : vector<16xf32> to vector<1x16xf32>
            tpu.vector_store %arg10[%swap3A_373, %swap3A_374], %swap3A_377 {strides = array<i32>} : memref<120x256xf32, #tpu.memory_space<vmem>>, vector<1x16xf32>,
            %get3A_378 = arith.index_cast %scan3A_260 : i32 to index
            %get3A_379 = arith.constant 112 : index
            %get3A_380 = tpu.vector_load %arg10[%get3A_378, %get3A_379] {strides = array<i32>} : memref<120x256xf32, #tpu.memory_space<vmem>>, vector<1x16xf32>,
            %get3A_381 = vector.shape_cast %get3A_380 : vector<1x16xf32> to vector<16xf32>
            %get3A_382 = arith.index_cast %scan3A_260 : i32 to index
            %get3A_383 = arith.constant 112 : index
            %get3A_384 = tpu.vector_load %arg11[%get3A_382, %get3A_383] {strides = array<i32>} : memref<120x256xf32, #tpu.memory_space<vmem>>, vector<1x16xf32>,
            %get3A_385 = vector.shape_cast %get3A_384 : vector<1x16xf32> to vector<16xf32>
            %add3A_386 = arith.addf %get3A_381, %get3A_385 : vector<16xf32>
            %mul3A_387 = arith.constant 5.000000e-01 : f32
            %mul3A_388 = vector.broadcast %mul3A_387 : f32 to vector<16xf32>
            %mul3A_389 = arith.mulf %add3A_386, %mul3A_388 : vector<16xf32>
            %swap3A_390 = arith.index_cast %scan3A_260 : i32 to index
            %swap3A_391 = arith.constant 112 : index
            %swap3A_392 = tpu.vector_load %arg10[%swap3A_390, %swap3A_391] {strides = array<i32>} : memref<120x256xf32, #tpu.memory_space<vmem>>, vector<1x16xf32>,
            %swap3A_393 = vector.shape_cast %swap3A_392 : vector<1x16xf32> to vector<16xf32>
            %swap3A_394 = vector.shape_cast %mul3A_389 : vector<16xf32> to vector<1x16xf32>
            tpu.vector_store %arg10[%swap3A_390, %swap3A_391], %swap3A_394 {strides = array<i32>} : memref<120x256xf32, #tpu.memory_space<vmem>>, vector<1x16xf32>,
            %get3A_395 = arith.index_cast %scan3A_260 : i32 to index
            %get3A_396 = arith.constant 128 : index
            %get3A_397 = tpu.vector_load %arg10[%get3A_395, %get3A_396] {strides = array<i32>} : memref<120x256xf32, #tpu.memory_space<vmem>>, vector<1x16xf32>,
            %get3A_398 = vector.shape_cast %get3A_397 : vector<1x16xf32> to vector<16xf32>
            %get3A_399 = arith.index_cast %scan3A_260 : i32 to index
            %get3A_400 = arith.constant 128 : index
            %get3A_401 = tpu.vector_load %arg11[%get3A_399, %get3A_400] {strides = array<i32>} : memref<120x256xf32, #tpu.memory_space<vmem>>, vector<1x16xf32>,
            %get3A_402 = vector.shape_cast %get3A_401 : vector<1x16xf32> to vector<16xf32>
            %add3A_403 = arith.addf %get3A_398, %get3A_402 : vector<16xf32>
            %mul3A_404 = arith.constant 5.000000e-01 : f32
            %mul3A_405 = vector.broadcast %mul3A_404 : f32 to vector<16xf32>
            %mul3A_406 = arith.mulf %add3A_403, %mul3A_405 : vector<16xf32>
            %swap3A_407 = arith.index_cast %scan3A_260 : i32 to index
            %swap3A_408 = arith.constant 128 : index
            %swap3A_409 = tpu.vector_load %arg10[%swap3A_407, %swap3A_408] {strides = array<i32>} : memref<120x256xf32, #tpu.memory_space<vmem>>, vector<1x16xf32>,
            %swap3A_410 = vector.shape_cast %swap3A_409 : vector<1x16xf32> to vector<16xf32>
            %swap3A_411 = vector.shape_cast %mul3A_406 : vector<16xf32> to vector<1x16xf32>
            tpu.vector_store %arg10[%swap3A_407, %swap3A_408], %swap3A_411 {strides = array<i32>} : memref<120x256xf32, #tpu.memory_space<vmem>>, vector<1x16xf32>,
            %get3A_412 = arith.index_cast %scan3A_260 : i32 to index
            %get3A_413 = arith.constant 144 : index
            %get3A_414 = tpu.vector_load %arg10[%get3A_412, %get3A_413] {strides = array<i32>} : memref<120x256xf32, #tpu.memory_space<vmem>>, vector<1x16xf32>,
            %get3A_415 = vector.shape_cast %get3A_414 : vector<1x16xf32> to vector<16xf32>
            %get3A_416 = arith.index_cast %scan3A_260 : i32 to index
            %get3A_417 = arith.constant 144 : index
            %get3A_418 = tpu.vector_load %arg11[%get3A_416, %get3A_417] {strides = array<i32>} : memref<120x256xf32, #tpu.memory_space<vmem>>, vector<1x16xf32>,
            %get3A_419 = vector.shape_cast %get3A_418 : vector<1x16xf32> to vector<16xf32>
            %add3A_420 = arith.addf %get3A_415, %get3A_419 : vector<16xf32>
            %mul3A_421 = arith.constant 5.000000e-01 : f32
            %mul3A_422 = vector.broadcast %mul3A_421 : f32 to vector<16xf32>
            %mul3A_423 = arith.mulf %add3A_420, %mul3A_422 : vector<16xf32>
            %swap3A_424 = arith.index_cast %scan3A_260 : i32 to index
            %swap3A_425 = arith.constant 144 : index
            %swap3A_426 = tpu.vector_load %arg10[%swap3A_424, %swap3A_425] {strides = array<i32>} : memref<120x256xf32, #tpu.memory_space<vmem>>, vector<1x16xf32>,
            %swap3A_427 = vector.shape_cast %swap3A_426 : vector<1x16xf32> to vector<16xf32>
            %swap3A_428 = vector.shape_cast %mul3A_423 : vector<16xf32> to vector<1x16xf32>
            tpu.vector_store %arg10[%swap3A_424, %swap3A_425], %swap3A_428 {strides = array<i32>} : memref<120x256xf32, #tpu.memory_space<vmem>>, vector<1x16xf32>,
            %get3A_429 = arith.index_cast %scan3A_260 : i32 to index
            %get3A_430 = arith.constant 160 : index
            %get3A_431 = tpu.vector_load %arg10[%get3A_429, %get3A_430] {strides = array<i32>} : memref<120x256xf32, #tpu.memory_space<vmem>>, vector<1x16xf32>,
            %get3A_432 = vector.shape_cast %get3A_431 : vector<1x16xf32> to vector<16xf32>
            %get3A_433 = arith.index_cast %scan3A_260 : i32 to index
            %get3A_434 = arith.constant 160 : index
            %get3A_435 = tpu.vector_load %arg11[%get3A_433, %get3A_434] {strides = array<i32>} : memref<120x256xf32, #tpu.memory_space<vmem>>, vector<1x16xf32>,
            %get3A_436 = vector.shape_cast %get3A_435 : vector<1x16xf32> to vector<16xf32>
            %add3A_437 = arith.addf %get3A_432, %get3A_436 : vector<16xf32>
            %mul3A_438 = arith.constant 5.000000e-01 : f32
            %mul3A_439 = vector.broadcast %mul3A_438 : f32 to vector<16xf32>
            %mul3A_440 = arith.mulf %add3A_437, %mul3A_439 : vector<16xf32>
            %swap3A_441 = arith.index_cast %scan3A_260 : i32 to index
            %swap3A_442 = arith.constant 160 : index
            %swap3A_443 = tpu.vector_load %arg10[%swap3A_441, %swap3A_442] {strides = array<i32>} : memref<120x256xf32, #tpu.memory_space<vmem>>, vector<1x16xf32>,
            %swap3A_444 = vector.shape_cast %swap3A_443 : vector<1x16xf32> to vector<16xf32>
            %swap3A_445 = vector.shape_cast %mul3A_440 : vector<16xf32> to vector<1x16xf32>
            tpu.vector_store %arg10[%swap3A_441, %swap3A_442], %swap3A_445 {strides = array<i32>} : memref<120x256xf32, #tpu.memory_space<vmem>>, vector<1x16xf32>,
            %get3A_446 = arith.index_cast %scan3A_260 : i32 to index
            %get3A_447 = arith.constant 176 : index
            %get3A_448 = tpu.vector_load %arg10[%get3A_446, %get3A_447] {strides = array<i32>} : memref<120x256xf32, #tpu.memory_space<vmem>>, vector<1x16xf32>,
            %get3A_449 = vector.shape_cast %get3A_448 : vector<1x16xf32> to vector<16xf32>
            %get3A_450 = arith.index_cast %scan3A_260 : i32 to index
            %get3A_451 = arith.constant 176 : index
            %get3A_452 = tpu.vector_load %arg11[%get3A_450, %get3A_451] {strides = array<i32>} : memref<120x256xf32, #tpu.memory_space<vmem>>, vector<1x16xf32>,
            %get3A_453 = vector.shape_cast %get3A_452 : vector<1x16xf32> to vector<16xf32>
            %add3A_454 = arith.addf %get3A_449, %get3A_453 : vector<16xf32>
            %mul3A_455 = arith.constant 5.000000e-01 : f32
            %mul3A_456 = vector.broadcast %mul3A_455 : f32 to vector<16xf32>
            %mul3A_457 = arith.mulf %add3A_454, %mul3A_456 : vector<16xf32>
            %swap3A_458 = arith.index_cast %scan3A_260 : i32 to index
            %swap3A_459 = arith.constant 176 : index
            %swap3A_460 = tpu.vector_load %arg10[%swap3A_458, %swap3A_459] {strides = array<i32>} : memref<120x256xf32, #tpu.memory_space<vmem>>, vector<1x16xf32>,
            %swap3A_461 = vector.shape_cast %swap3A_460 : vector<1x16xf32> to vector<16xf32>
            %swap3A_462 = vector.shape_cast %mul3A_457 : vector<16xf32> to vector<1x16xf32>
            tpu.vector_store %arg10[%swap3A_458, %swap3A_459], %swap3A_462 {strides = array<i32>} : memref<120x256xf32, #tpu.memory_space<vmem>>, vector<1x16xf32>,
            %get3A_463 = arith.index_cast %scan3A_260 : i32 to index
            %get3A_464 = arith.constant 192 : index
            %get3A_465 = tpu.vector_load %arg10[%get3A_463, %get3A_464] {strides = array<i32>} : memref<120x256xf32, #tpu.memory_space<vmem>>, vector<1x16xf32>,
            %get3A_466 = vector.shape_cast %get3A_465 : vector<1x16xf32> to vector<16xf32>
            %get3A_467 = arith.index_cast %scan3A_260 : i32 to index
            %get3A_468 = arith.constant 192 : index
            %get3A_469 = tpu.vector_load %arg11[%get3A_467, %get3A_468] {strides = array<i32>} : memref<120x256xf32, #tpu.memory_space<vmem>>, vector<1x16xf32>,
            %get3A_470 = vector.shape_cast %get3A_469 : vector<1x16xf32> to vector<16xf32>
            %add3A_471 = arith.addf %get3A_466, %get3A_470 : vector<16xf32>
            %mul3A_472 = arith.constant 5.000000e-01 : f32
            %mul3A_473 = vector.broadcast %mul3A_472 : f32 to vector<16xf32>
            %mul3A_474 = arith.mulf %add3A_471, %mul3A_473 : vector<16xf32>
            %swap3A_475 = arith.index_cast %scan3A_260 : i32 to index
            %swap3A_476 = arith.constant 192 : index
            %swap3A_477 = tpu.vector_load %arg10[%swap3A_475, %swap3A_476] {strides = array<i32>} : memref<120x256xf32, #tpu.memory_space<vmem>>, vector<1x16xf32>,
            %swap3A_478 = vector.shape_cast %swap3A_477 : vector<1x16xf32> to vector<16xf32>
            %swap3A_479 = vector.shape_cast %mul3A_474 : vector<16xf32> to vector<1x16xf32>
            tpu.vector_store %arg10[%swap3A_475, %swap3A_476], %swap3A_479 {strides = array<i32>} : memref<120x256xf32, #tpu.memory_space<vmem>>, vector<1x16xf32>,
            %get3A_480 = arith.index_cast %scan3A_260 : i32 to index
            %get3A_481 = arith.constant 208 : index
            %get3A_482 = tpu.vector_load %arg10[%get3A_480, %get3A_481] {strides = array<i32>} : memref<120x256xf32, #tpu.memory_space<vmem>>, vector<1x16xf32>,
            %get3A_483 = vector.shape_cast %get3A_482 : vector<1x16xf32> to vector<16xf32>
            %get3A_484 = arith.index_cast %scan3A_260 : i32 to index
            %get3A_485 = arith.constant 208 : index
            %get3A_486 = tpu.vector_load %arg11[%get3A_484, %get3A_485] {strides = array<i32>} : memref<120x256xf32, #tpu.memory_space<vmem>>, vector<1x16xf32>,
            %get3A_487 = vector.shape_cast %get3A_486 : vector<1x16xf32> to vector<16xf32>
            %add3A_488 = arith.addf %get3A_483, %get3A_487 : vector<16xf32>
            %mul3A_489 = arith.constant 5.000000e-01 : f32
            %mul3A_490 = vector.broadcast %mul3A_489 : f32 to vector<16xf32>
            %mul3A_491 = arith.mulf %add3A_488, %mul3A_490 : vector<16xf32>
            %swap3A_492 = arith.index_cast %scan3A_260 : i32 to index
            %swap3A_493 = arith.constant 208 : index
            %swap3A_494 = tpu.vector_load %arg10[%swap3A_492, %swap3A_493] {strides = array<i32>} : memref<120x256xf32, #tpu.memory_space<vmem>>, vector<1x16xf32>,
            %swap3A_495 = vector.shape_cast %swap3A_494 : vector<1x16xf32> to vector<16xf32>
            %swap3A_496 = vector.shape_cast %mul3A_491 : vector<16xf32> to vector<1x16xf32>
            tpu.vector_store %arg10[%swap3A_492, %swap3A_493], %swap3A_496 {strides = array<i32>} : memref<120x256xf32, #tpu.memory_space<vmem>>, vector<1x16xf32>,
            %get3A_497 = arith.index_cast %scan3A_260 : i32 to index
            %get3A_498 = arith.constant 224 : index
            %get3A_499 = tpu.vector_load %arg10[%get3A_497, %get3A_498] {strides = array<i32>} : memref<120x256xf32, #tpu.memory_space<vmem>>, vector<1x16xf32>,
            %get3A_500 = vector.shape_cast %get3A_499 : vector<1x16xf32> to vector<16xf32>
            %get3A_501 = arith.index_cast %scan3A_260 : i32 to index
            %get3A_502 = arith.constant 224 : index
            %get3A_503 = tpu.vector_load %arg11[%get3A_501, %get3A_502] {strides = array<i32>} : memref<120x256xf32, #tpu.memory_space<vmem>>, vector<1x16xf32>,
            %get3A_504 = vector.shape_cast %get3A_503 : vector<1x16xf32> to vector<16xf32>
            %add3A_505 = arith.addf %get3A_500, %get3A_504 : vector<16xf32>
            %mul3A_506 = arith.constant 5.000000e-01 : f32
            %mul3A_507 = vector.broadcast %mul3A_506 : f32 to vector<16xf32>
            %mul3A_508 = arith.mulf %add3A_505, %mul3A_507 : vector<16xf32>
            %swap3A_509 = arith.index_cast %scan3A_260 : i32 to index
            %swap3A_510 = arith.constant 224 : index
            %swap3A_511 = tpu.vector_load %arg10[%swap3A_509, %swap3A_510] {strides = array<i32>} : memref<120x256xf32, #tpu.memory_space<vmem>>, vector<1x16xf32>,
            %swap3A_512 = vector.shape_cast %swap3A_511 : vector<1x16xf32> to vector<16xf32>
            %swap3A_513 = vector.shape_cast %mul3A_508 : vector<16xf32> to vector<1x16xf32>
            tpu.vector_store %arg10[%swap3A_509, %swap3A_510], %swap3A_513 {strides = array<i32>} : memref<120x256xf32, #tpu.memory_space<vmem>>, vector<1x16xf32>,
            %get3A_514 = arith.index_cast %scan3A_260 : i32 to index
            %get3A_515 = arith.constant 240 : index
            %get3A_516 = tpu.vector_load %arg10[%get3A_514, %get3A_515] {strides = array<i32>} : memref<120x256xf32, #tpu.memory_space<vmem>>, vector<1x16xf32>,
            %get3A_517 = vector.shape_cast %get3A_516 : vector<1x16xf32> to vector<16xf32>
            %get3A_518 = arith.index_cast %scan3A_260 : i32 to index
            %get3A_519 = arith.constant 240 : index
            %get3A_520 = tpu.vector_load %arg11[%get3A_518, %get3A_519] {strides = array<i32>} : memref<120x256xf32, #tpu.memory_space<vmem>>, vector<1x16xf32>,
            %get3A_521 = vector.shape_cast %get3A_520 : vector<1x16xf32> to vector<16xf32>
            %add3A_522 = arith.addf %get3A_517, %get3A_521 : vector<16xf32>
            %mul3A_523 = arith.constant 5.000000e-01 : f32
            %mul3A_524 = vector.broadcast %mul3A_523 : f32 to vector<16xf32>
            %mul3A_525 = arith.mulf %add3A_522, %mul3A_524 : vector<16xf32>
            %swap3A_526 = arith.index_cast %scan3A_260 : i32 to index
            %swap3A_527 = arith.constant 240 : index
            %swap3A_528 = tpu.vector_load %arg10[%swap3A_526, %swap3A_527] {strides = array<i32>} : memref<120x256xf32, #tpu.memory_space<vmem>>, vector<1x16xf32>,
            %swap3A_529 = vector.shape_cast %swap3A_528 : vector<1x16xf32> to vector<16xf32>
            %swap3A_530 = vector.shape_cast %mul3A_525 : vector<16xf32> to vector<1x16xf32>
            tpu.vector_store %arg10[%swap3A_526, %swap3A_527], %swap3A_530 {strides = array<i32>} : memref<120x256xf32, #tpu.memory_space<vmem>>, vector<1x16xf32>,
          }
          %scan3A_259 = arith.constant 120 : i32
        } else {
        }
        %mul3A_236 = arith.constant 32 : i32
        %mul3A_237 = arith.muli %scan3A_147, %mul3A_236 : i32
        %add3A_238 = arith.addi %add3A, %mul3A_237 : i32
        %mul3A_239 = arith.constant 120 : i32
        %mul3A_240 = arith.muli %add3A_238, %mul3A_239 : i32
        %min3A_241 = arith.constant 169880 : i32
        %min3A_242 = arith.minsi %mul3A_240, %min3A_241 : i32
        %dma_start3A_243 = arith.constant 0 : i32
        %dma_start3A_244 = tpu.memref_slice %arg5[%min3A_242, %dma_start3A_243] : memref<170000x256xf32, #tpu.memory_space<hbm>> -> memref<120x256xf32, #tpu.memory_space<hbm>>
        %dma_start3A_245 = arith.constant 0 : i32
        %dma_start3A_246 = tpu.memref_slice %arg5[%min3A_242, %dma_start3A_245] : memref<170000x256xf32, #tpu.memory_space<hbm>> -> memref<120x256xf32, #tpu.memory_space<hbm>>
        tpu.enqueue_dma source(%arg10 : memref<120x256xf32, #tpu.memory_space<vmem>>) target(%dma_start3A_246 : memref<120x256xf32, #tpu.memory_space<hbm>>) target_semaphore(%arg17 : memref<!tpu.dma_semaphore, #tpu.memory_space<semaphore_mem>>)
        %add3A_247 = arith.constant 2 : i32
        %add3A_248 = arith.addi %scan3A_147, %add3A_247 : i32
        %lt3A_249 = arith.constant 45 : i32
        %lt3A_250 = arith.cmpi slt, %add3A_248, %lt3A_249 : i32
        %convert_element_type3A_251 = arith.extui %lt3A_250 : i1 to i32
        %cond3A_252 = arith.constant 0 : i32
        %cond3A_253 = arith.cmpi ne, %convert_element_type3A_251, %cond3A_252 : i32
        scf.if %cond3A_253 {
          %mul3A_254 = arith.constant 32 : i32
          %mul3A_255 = arith.muli %scan3A_147, %mul3A_254 : i32
          %add3A_256 = arith.addi %add3A, %mul3A_255 : i32
          %mul3A_257 = arith.constant 120 : i32
          %mul3A_258 = arith.muli %add3A_256, %mul3A_257 : i32
          %min3A_259 = arith.constant 169880 : i32
          %min3A_260 = arith.minsi %mul3A_258, %min3A_259 : i32
          %dma_wait3A_261 = arith.constant 0 : i32
          %dma_wait3A_262 = tpu.memref_slice %arg5[%min3A_260, %dma_wait3A_261] : memref<170000x256xf32, #tpu.memory_space<hbm>> -> memref<120x256xf32, #tpu.memory_space<hbm>>
          %dma_wait3A_263 = arith.constant 0 : i32
          %dma_wait3A_264 = tpu.memref_slice %arg5[%min3A_260, %dma_wait3A_263] : memref<170000x256xf32, #tpu.memory_space<hbm>> -> memref<120x256xf32, #tpu.memory_space<hbm>>
          tpu.wait_dma2 semaphore(%arg17 : memref<!tpu.dma_semaphore, #tpu.memory_space<semaphore_mem>>) src(%arg10 : memref<120x256xf32, #tpu.memory_space<vmem>>) dst(%dma_wait3A_264 : memref<120x256xf32, #tpu.memory_space<hbm>>)
          %add3A_265 = arith.constant 2 : i32
          %add3A_266 = arith.addi %scan3A_147, %add3A_265 : i32
          %mul3A_267 = arith.constant 32 : i32
          %mul3A_268 = arith.muli %add3A_266, %mul3A_267 : i32
          %add3A_269 = arith.addi %add3A, %mul3A_268 : i32
          %mul3A_270 = arith.constant 120 : i32
          %mul3A_271 = arith.muli %add3A_269, %mul3A_270 : i32
          %min3A_272 = arith.constant 169880 : i32
          %min3A_273 = arith.minsi %mul3A_271, %min3A_272 : i32
          %dma_wait3A_274 = arith.constant 0 : i32
          %dma_wait3A_275 = tpu.memref_slice %arg7[%dma_wait3A_274] : memref<240xi32, #tpu.memory_space<vmem>> -> memref<120xi32, #tpu.memory_space<vmem>>
          %dma_wait3A_276 = tpu.memref_slice %arg3[%min3A_273] : memref<170000xi32, #tpu.memory_space<hbm>> -> memref<120xi32, #tpu.memory_space<hbm>>
          %dma_wait3A_277 = arith.constant 0 : i32
          %dma_wait3A_278 = tpu.memref_slice %arg7[%dma_wait3A_277] : memref<240xi32, #tpu.memory_space<vmem>> -> memref<120xi32, #tpu.memory_space<vmem>>
          %dma_wait3A_279 = tpu.memref_slice %arg3[%min3A_273] : memref<170000xi32, #tpu.memory_space<hbm>> -> memref<120xi32, #tpu.memory_space<hbm>>
          tpu.wait_dma2 semaphore(%arg13 : memref<!tpu.dma_semaphore, #tpu.memory_space<semaphore_mem>>) src(%dma_wait3A_279 : memref<120xi32, #tpu.memory_space<hbm>>) dst(%dma_wait3A_278 : memref<120xi32, #tpu.memory_space<vmem>>)
          %dma_wait3A_280 = arith.constant 120 : i32
          %dma_wait3A_281 = tpu.memref_slice %arg7[%dma_wait3A_280] : memref<240xi32, #tpu.memory_space<vmem>> -> memref<120xi32, #tpu.memory_space<vmem>>
          %dma_wait3A_282 = tpu.memref_slice %arg4[%min3A_273] : memref<170000xi32, #tpu.memory_space<hbm>> -> memref<120xi32, #tpu.memory_space<hbm>>
          %dma_wait3A_283 = arith.constant 120 : i32
          %dma_wait3A_284 = tpu.memref_slice %arg7[%dma_wait3A_283] : memref<240xi32, #tpu.memory_space<vmem>> -> memref<120xi32, #tpu.memory_space<vmem>>
          %dma_wait3A_285 = tpu.memref_slice %arg4[%min3A_273] : memref<170000xi32, #tpu.memory_space<hbm>> -> memref<120xi32, #tpu.memory_space<hbm>>
          tpu.wait_dma2 semaphore(%arg13 : memref<!tpu.dma_semaphore, #tpu.memory_space<semaphore_mem>>) src(%dma_wait3A_285 : memref<120xi32, #tpu.memory_space<hbm>>) dst(%dma_wait3A_284 : memref<120xi32, #tpu.memory_space<vmem>>)
          %add3A_286 = arith.constant 2 : i32
          %add3A_287 = arith.addi %scan3A_147, %add3A_286 : i32
          %mul3A_288 = arith.constant 32 : i32
          %mul3A_289 = arith.muli %add3A_287, %mul3A_288 : i32
          %add3A_290 = arith.addi %add3A, %mul3A_289 : i32
          %mul3A_291 = arith.constant 120 : i32
          %mul3A_292 = arith.muli %add3A_290, %mul3A_291 : i32
          %min3A_293 = arith.constant 169880 : i32
          %min3A_294 = arith.minsi %mul3A_292, %min3A_293 : i32
          %add3A_295 = arith.constant 120 : i32
          %add3A_296 = arith.addi %min3A_294, %add3A_295 : i32
          %le3A_297 = arith.constant 10000 : i32
          %le3A_298 = arith.cmpi sle, %add3A_296, %le3A_297 : i32
          %convert_element_type3A_299 = arith.extui %le3A_298 : i1 to i32
          %cond3A_300 = arith.constant 0 : i32
          %cond3A_301 = arith.cmpi ne, %convert_element_type3A_299, %cond3A_300 : i32
          scf.if %cond3A_301 {
            %mul3A_318 = arith.constant 32 : i32
            %mul3A_319 = arith.muli %add3A_287, %mul3A_318 : i32
            %add3A_320 = arith.addi %add3A, %mul3A_319 : i32
            %mul3A_321 = arith.constant 120 : i32
            %mul3A_322 = arith.muli %add3A_320, %mul3A_321 : i32
            %min3A_323 = arith.constant 169880 : i32
            %min3A_324 = arith.minsi %mul3A_322, %min3A_323 : i32
            %dma_start3A_325 = arith.constant 0 : i32
            %dma_start3A_326 = tpu.memref_slice %arg2[%min3A_324, %dma_start3A_325] : memref<10000x256xf32, #tpu.memory_space<hbm>> -> memref<120x256xf32, #tpu.memory_space<hbm>>
            %dma_start3A_327 = arith.constant 0 : i32
            %dma_start3A_328 = tpu.memref_slice %arg2[%min3A_324, %dma_start3A_327] : memref<10000x256xf32, #tpu.memory_space<hbm>> -> memref<120x256xf32, #tpu.memory_space<hbm>>
            tpu.enqueue_dma source(%dma_start3A_328 : memref<120x256xf32, #tpu.memory_space<hbm>>) target(%arg10 : memref<120x256xf32, #tpu.memory_space<vmem>>) target_semaphore(%arg15 : memref<!tpu.dma_semaphore, #tpu.memory_space<semaphore_mem>>)
          } else {
          }
          %mul3A_302 = arith.constant 32 : i32
          %mul3A_303 = arith.muli %add3A_287, %mul3A_302 : i32
          %add3A_304 = arith.addi %add3A, %mul3A_303 : i32
          %mul3A_305 = arith.constant 120 : i32
          %mul3A_306 = arith.muli %add3A_304, %mul3A_305 : i32
          %min3A_307 = arith.constant 169880 : i32
          %min3A_308 = arith.minsi %mul3A_306, %min3A_307 : i32
          %add3A_309 = arith.constant 120 : i32
          %add3A_310 = arith.addi %min3A_308, %add3A_309 : i32
          %le3A_311 = arith.constant 10000 : i32
          %le3A_312 = arith.cmpi sle, %add3A_310, %le3A_311 : i32
          %not3A_313 = arith.constant true
          %not3A_314 = arith.xori %le3A_312, %not3A_313 : i1
          %convert_element_type3A_315 = arith.extui %not3A_314 : i1 to i32
          %cond3A_316 = arith.constant 0 : i32
          %cond3A_317 = arith.cmpi ne, %convert_element_type3A_315, %cond3A_316 : i32
          scf.if %cond3A_317 {
            %dma_start3A_318 = arith.constant 0 : i32
            %dma_start3A_319 = arith.constant 0 : i32
            %dma_start3A_320 = tpu.memref_slice %arg10[%dma_start3A_318, %dma_start3A_319] : memref<120x256xf32, #tpu.memory_space<vmem>> -> memref<64x256xf32, #tpu.memory_space<vmem>>
            %dma_start3A_321 = arith.constant 0 : i32
            %dma_start3A_322 = tpu.memref_slice %arg7[%dma_start3A_321] : memref<240xi32, #tpu.memory_space<vmem>> -> memref<64xi32, #tpu.memory_space<vmem>>
            %dma_start3A_323 = arith.constant 0 : i32
            %dma_start3A_324 = arith.constant 0 : i32
            %dma_start3A_325 = tpu.memref_slice %arg2[%dma_start3A_323, %dma_start3A_324] : memref<10000x256xf32, #tpu.memory_space<hbm>> -> memref<10000x256xf32, #tpu.memory_space<hbm>>
            tpu.enqueue_indirect_dma source(%dma_start3A_325 : memref<10000x256xf32, #tpu.memory_space<hbm>>) target(%dma_start3A_320 : memref<64x256xf32, #tpu.memory_space<vmem>>) offsets(%dma_start3A_322 : memref<64xi32, #tpu.memory_space<vmem>>) semaphore(%arg15 : memref<!tpu.dma_semaphore, #tpu.memory_space<semaphore_mem>>)
            %dma_start3A_326 = arith.constant 64 : i32
            %dma_start3A_327 = arith.constant 0 : i32
            %dma_start3A_328 = tpu.memref_slice %arg10[%dma_start3A_326, %dma_start3A_327] : memref<120x256xf32, #tpu.memory_space<vmem>> -> memref<56x256xf32, #tpu.memory_space<vmem>>
            %dma_start3A_329 = arith.constant 64 : i32
            %dma_start3A_330 = tpu.memref_slice %arg7[%dma_start3A_329] : memref<240xi32, #tpu.memory_space<vmem>> -> memref<56xi32, #tpu.memory_space<vmem>>
            %dma_start3A_331 = arith.constant 0 : i32
            %dma_start3A_332 = arith.constant 0 : i32
            %dma_start3A_333 = tpu.memref_slice %arg2[%dma_start3A_331, %dma_start3A_332] : memref<10000x256xf32, #tpu.memory_space<hbm>> -> memref<10000x256xf32, #tpu.memory_space<hbm>>
            tpu.enqueue_indirect_dma source(%dma_start3A_333 : memref<10000x256xf32, #tpu.memory_space<hbm>>) target(%dma_start3A_328 : memref<56x256xf32, #tpu.memory_space<vmem>>) offsets(%dma_start3A_330 : memref<56xi32, #tpu.memory_space<vmem>>) semaphore(%arg15 : memref<!tpu.dma_semaphore, #tpu.memory_space<semaphore_mem>>)
            %dma_start3A_334 = arith.constant 0 : i32
            %dma_start3A_335 = arith.constant 0 : i32
            %dma_start3A_336 = tpu.memref_slice %arg11[%dma_start3A_334, %dma_start3A_335] : memref<120x256xf32, #tpu.memory_space<vmem>> -> memref<64x256xf32, #tpu.memory_space<vmem>>
            %dma_start3A_337 = arith.constant 120 : i32
            %dma_start3A_338 = tpu.memref_slice %arg7[%dma_start3A_337] : memref<240xi32, #tpu.memory_space<vmem>> -> memref<64xi32, #tpu.memory_space<vmem>>
            %dma_start3A_339 = arith.constant 0 : i32
            %dma_start3A_340 = arith.constant 0 : i32
            %dma_start3A_341 = tpu.memref_slice %arg2[%dma_start3A_339, %dma_start3A_340] : memref<10000x256xf32, #tpu.memory_space<hbm>> -> memref<10000x256xf32, #tpu.memory_space<hbm>>
            tpu.enqueue_indirect_dma source(%dma_start3A_341 : memref<10000x256xf32, #tpu.memory_space<hbm>>) target(%dma_start3A_336 : memref<64x256xf32, #tpu.memory_space<vmem>>) offsets(%dma_start3A_338 : memref<64xi32, #tpu.memory_space<vmem>>) semaphore(%arg15 : memref<!tpu.dma_semaphore, #tpu.memory_space<semaphore_mem>>)
            %dma_start3A_342 = arith.constant 64 : i32
            %dma_start3A_343 = arith.constant 0 : i32
            %dma_start3A_344 = tpu.memref_slice %arg11[%dma_start3A_342, %dma_start3A_343] : memref<120x256xf32, #tpu.memory_space<vmem>> -> memref<56x256xf32, #tpu.memory_space<vmem>>
            %dma_start3A_345 = arith.constant 184 : i32
            %dma_start3A_346 = tpu.memref_slice %arg7[%dma_start3A_345] : memref<240xi32, #tpu.memory_space<vmem>> -> memref<56xi32, #tpu.memory_space<vmem>>
            %dma_start3A_347 = arith.constant 0 : i32
            %dma_start3A_348 = arith.constant 0 : i32
            %dma_start3A_349 = tpu.memref_slice %arg2[%dma_start3A_347, %dma_start3A_348] : memref<10000x256xf32, #tpu.memory_space<hbm>> -> memref<10000x256xf32, #tpu.memory_space<hbm>>
            tpu.enqueue_indirect_dma source(%dma_start3A_349 : memref<10000x256xf32, #tpu.memory_space<hbm>>) target(%dma_start3A_344 : memref<56x256xf32, #tpu.memory_space<vmem>>) offsets(%dma_start3A_346 : memref<56xi32, #tpu.memory_space<vmem>>) semaphore(%arg15 : memref<!tpu.dma_semaphore, #tpu.memory_space<semaphore_mem>>)
          } else {
          }
        } else {
        }
      } else {
      }
    }
    %scan3A_126 = arith.constant 45 : i32
    %add3A_127 = arith.constant 0 : i32
    %add3A_128 = arith.addi %add3A, %add3A_127 : i32
    %mul3A_129 = arith.constant 120 : i32
    %mul3A_130 = arith.muli %add3A_128, %mul3A_129 : i32
    %min3A_131 = arith.constant 169880 : i32
    %min3A_132 = arith.minsi %mul3A_130, %min3A_131 : i32
    %dma_wait3A_133 = arith.constant 0 : i32
    %dma_wait3A_134 = tpu.memref_slice %arg5[%min3A_132, %dma_wait3A_133] : memref<170000x256xf32, #tpu.memory_space<hbm>> -> memref<120x256xf32, #tpu.memory_space<hbm>>
    %dma_wait3A_135 = arith.constant 0 : i32
    %dma_wait3A_136 = tpu.memref_slice %arg5[%min3A_132, %dma_wait3A_135] : memref<170000x256xf32, #tpu.memory_space<hbm>> -> memref<120x256xf32, #tpu.memory_space<hbm>>
    tpu.wait_dma2 semaphore(%arg16 : memref<!tpu.dma_semaphore, #tpu.memory_space<semaphore_mem>>) src(%arg8 : memref<120x256xf32, #tpu.memory_space<vmem>>) dst(%dma_wait3A_136 : memref<120x256xf32, #tpu.memory_space<hbm>>)
    %add3A_137 = arith.constant 0 : i32
    %add3A_138 = arith.addi %add3A, %add3A_137 : i32
    %mul3A_139 = arith.constant 120 : i32
    %mul3A_140 = arith.muli %add3A_138, %mul3A_139 : i32
    %min3A_141 = arith.constant 169880 : i32
    %min3A_142 = arith.minsi %mul3A_140, %min3A_141 : i32
    %dma_wait3A_143 = arith.constant 0 : i32
    %dma_wait3A_144 = tpu.memref_slice %arg5[%min3A_142, %dma_wait3A_143] : memref<170000x256xf32, #tpu.memory_space<hbm>> -> memref<120x256xf32, #tpu.memory_space<hbm>>
    %dma_wait3A_145 = arith.constant 0 : i32
    %dma_wait3A_146 = tpu.memref_slice %arg5[%min3A_142, %dma_wait3A_145] : memref<170000x256xf32, #tpu.memory_space<hbm>> -> memref<120x256xf32, #tpu.memory_space<hbm>>
    tpu.wait_dma2 semaphore(%arg17 : memref<!tpu.dma_semaphore, #tpu.memory_space<semaphore_mem>>) src(%arg10 : memref<120x256xf32, #tpu.memory_space<vmem>>) dst(%dma_wait3A_146 : memref<120x256xf32, #tpu.memory_space<hbm>>)
    return
  }
}

</mosaic_0001>

<sc_bundles>
// kernel: kernel.3.cloned.1.call-start
scs
__scs_entry_jumppad:
0x0: {  	(pc) =	sbr.rel $0x88, $3  }
0x1: {  	(tag) =	ssettag $0x0;
	lr =	simm.s32 $0x1  }
0x2: {  	[smem:$0x3F9F] =	sst lr;
	_ =	strace $0xD0000000  }
0x3: {  	_ = 	snop  }
0x4: {  	_ = 	snop  }
0x5: {  	_ = 	snop  }
0x6: {  	_ = 	snop  }
0x7: {  	_ = 	snop  }
__scs_overlays_trampoline_lowered:
0x8: {  	[smem:$0x3FAE] =	sst s0  }
0x9: {  	[smem:$0x3FAF] =	sst s1  }
0xa: {  	[smem:$0x3FB0] =	sst s2  }
0xb: {  	[smem:$0x3FB1] =	sst s3  }
0xc: {  	[smem:$0x3FB2] =	sst s4  }
0xd: {  	[smem:$0x3FB3] =	sst s5  }
0xe: {  	[smem:$0x3FB4] =	sst s6  }
0xf: {  	[smem:$0x3FB5] =	sst s7  }
0x10: {  	[smem:$0x3FB6] =	sst s8  }
0x11: {  	[smem:$0x3FB7] =	sst s9;
	s0 =	simm.s32 @!p0 $0x0  }
0x12: {  	s1 =	sld [smem:$0x3F9D];
	s0 =	simm.s32 @p0 $0x1  }
0x13: {  	[smem:$0x3FB8] =	sst s0;
	s0 =	simm.s32 @!p1 $0x0  }
0x14: {  	s2 =	sld [smem:$0x3F9C];
	s0 =	simm.s32 @p1 $0x1  }
0x15: {  	[smem:$0x3FB9] =	sst s0;
	s0 =	simm.s32 @!p2 $0x0  }
0x16: {  	s3 =	sld [smem:$0x3FDB];
	s0 =	simm.s32 @p2 $0x1  }
0x17: {  	s4 =	simm.s32 $0x1BF5;
	[smem:$0x3FBB] =	sst s0  }
0x18: {  	s0 =	sld [smem:$0x3F9E];
	_ =	swait.ge [sflag:s4], $0x0  }
0x19: {  	s7 =	sld [smem:$0x3F9F]  }
0x1a: {  	s8 =	sadd.s32 $0xFFFFE003, lr  }
0x1b: {  	s9 =	sadd.s32 $0xFFFFFEF7, lr;
	s5 =	simm.s32 $0xFFFFFFFF;
	p2 =	slt.u32 s8, $0xFFFFF086  }
0x1c: {  	p1 =	slt.u32 s9, $0xF7A;
	s5 =	simm.s32 @!p2 $0x0  }
0x1d: {  	s5 =	simm.s32 @p1 $0x1;
	p0 =	seq.s32 s7, s2  }
0x1e: {  	s7 =	smul.u32 @!p0 $0xF7A, s2;
	p2 =	seq.s32 @!p0 s5, $0x0  }
0x1f: {  	s9 =	smul.u32 $0xF7A, s1;
	s8 =	simm.s32 @!p0 $0x1BF5;
	p2 =	por !p2, p0  }
0x20: {  	[sflag:s8] =	ssyncset.s32 @!p0 $0xFFFFF086;
	s6 =	sadd.s32 @!p0 s3, s7;
	s7 =	simm.s32 @!p0 $0x108  }
0x21: {  	s3 =	sadd.s32 s3, s9;
	s6 =	sadd.s32 @!p0 $0x88, s6;
	s7 =	simm.s32 @p2 $0x1082  }
0x22: {  	[simem:s7], [sflag:s8] =	dma.local @!p0 [hbm:s6], $0xF7A  }
0x23: {  	s9 =	sor.u32 $0xD0000000, s2;
	s6 =	simm.s32 $0x108;
	_ =	swait.ge @!p0 [sflag:s8], $0x0  }
0x24: {  	s3 =	sadd.s32 $0x88, s3;
	s6 =	simm.s32 @!p1 $0x1082;
	[sflag:s4] =	ssyncset.s32 $0xFFFFF086  }
0x25: {  	[simem:s6], [sflag:s4] =	dma.local [hbm:s3], $0xF7A  }
0x26: {  	[smem:$0x3F9F] =	sst s1;
	(tag) =	ssettag s2;
	_ =	strace s9  }
0x27: {  	s1 =	sld [smem:$0x3FAF]  }
0x28: {  	s2 =	sld [smem:$0x3FB0]  }
0x29: {  	s4 =	sld [smem:$0x3FB2]  }
0x2a: {  	p0 =	seq.s32 s5, $0x0;
	s5 =	sld [smem:$0x3FB3]  }
0x2b: {  	s6 =	sld [smem:$0x3FB4]  }
0x2c: {  	s7 =	sld [smem:$0x3FB5]  }
0x2d: {  	s3 =	simm.s32 $0x108;
	s8 =	sld [smem:$0x3FB6]  }
0x2e: {  	s3 =	simm.s32 @!p0 $0x1082;
	s9 =	sld [smem:$0x3FB7]  }
0x2f: {  	lr =	sadd.s32 s0, s3;
	s0 =	sld [smem:$0x3FAE]  }
0x30: {  	s3 =	sld [smem:$0x3FB1]  }
0x31: {  	[smem:$0x3FBA] =	sst s10  }
0x32: {  	s10 =	sld [smem:$0x3FB8];
	_ =	sdelay $0x3  }
0x33: {  	p0 =	seq.s32 s10, $0x1;
	s10 =	sld [smem:$0x3FBA];
	_ =	sdelay $0x3  }
0x34: {  	[smem:$0x3FBA] =	sst s10  }
0x35: {  	s10 =	sld [smem:$0x3FB9];
	_ =	sdelay $0x3  }
0x36: {  	p1 =	seq.s32 s10, $0x1;
	s10 =	sld [smem:$0x3FBA];
	_ =	sdelay $0x3  }
0x37: {  	[smem:$0x3FBA] =	sst s10  }
0x38: {  	s10 =	sld [smem:$0x3FBB]  }
0x39: {  	_ = 	snop;
	(pc) =	sbr.ind lr, $3  }
0x3a: {  	_ = 	snop  }
0x3b: {  	_ = 	snop  }
0x3c: {  	p2 =	seq.s32 s10, $0x1;
	s10 =	sld [smem:$0x3FBA]  }
0x3d: {  	_ =	shalt  }
0x3e: {  	_ =	shalt  }
0x3f: {  	_ =	shalt  }
0x40: {  	_ =	shalt  }
0x41: {  	_ =	shalt  }
0x42: {  	_ =	shalt  }
0x43: {  	_ =	shalt  }
0x44: {  	_ =	shalt  }
0x45: {  	_ =	shalt  }
0x46: {  	_ =	shalt  }
0x47: {  	_ =	shalt  }
0x48: {  	_ =	shalt  }
0x49: {  	_ =	shalt  }
0x4a: {  	_ =	shalt  }
0x4b: {  	_ =	shalt  }
0x4c: {  	_ =	shalt  }
0x4d: {  	_ =	shalt  }
0x4e: {  	_ =	shalt  }
0x4f: {  	_ =	shalt  }
0x50: {  	_ =	shalt  }
0x51: {  	_ =	shalt  }
0x52: {  	_ =	shalt  }
0x53: {  	_ =	shalt  }
0x54: {  	_ =	shalt  }
0x55: {  	_ =	shalt  }
0x56: {  	_ =	shalt  }
0x57: {  	_ =	shalt  }
0x58: {  	_ =	shalt  }
0x59: {  	_ =	shalt  }
0x5a: {  	_ =	shalt  }
0x5b: {  	_ =	shalt  }
0x5c: {  	_ =	shalt  }
0x5d: {  	_ =	shalt  }
0x5e: {  	_ =	shalt  }
0x5f: {  	_ =	shalt  }
0x60: {  	_ =	shalt  }
0x61: {  	_ =	shalt  }
0x62: {  	_ =	shalt  }
0x63: {  	_ =	shalt  }
0x64: {  	_ =	shalt  }
0x65: {  	_ =	shalt  }
0x66: {  	_ =	shalt  }
0x67: {  	_ =	shalt  }
0x68: {  	_ =	shalt  }
0x69: {  	_ =	shalt  }
0x6a: {  	_ =	shalt  }
0x6b: {  	_ =	shalt  }
0x6c: {  	_ =	shalt  }
0x6d: {  	_ =	shalt  }
0x6e: {  	_ =	shalt  }
0x6f: {  	_ =	shalt  }
0x70: {  	_ =	shalt  }
0x71: {  	_ =	shalt  }
0x72: {  	_ =	shalt  }
0x73: {  	_ =	shalt  }
0x74: {  	_ =	shalt  }
0x75: {  	_ =	shalt  }
0x76: {  	_ =	shalt  }
0x77: {  	_ =	shalt  }
0x78: {  	_ =	shalt  }
0x79: {  	_ =	shalt  }
0x7a: {  	_ =	shalt  }
0x7b: {  	_ =	shalt  }
0x7c: {  	_ =	shalt  }
0x7d: {  	_ =	shalt  }
0x7e: {  	_ =	shalt  }
0x7f: {  	_ =	shalt  }
0x80: {  	_ =	shalt  }
0x81: {  	_ =	shalt  }
0x82: {  	_ =	shalt  }
0x83: {  	_ =	shalt  }
0x84: {  	_ =	shalt  }
0x85: {  	_ =	shalt  }
0x86: {  	_ =	shalt  }
0x87: {  	_ =	shalt  }
.Lfunc_end0:
.L_simem_size_0:
called_computation_lowered:
.L_overlay_start_0:
0x88: {  	s2 =	sld [smem:$0x3FD9]  }
0x89: {  	s3 =	sld [smem:$0x3FFE];
	_ =	sdelay $0x1  }
0x8a: {  	s1 =	srdreg.scid  }
0x8b: {  	s0 =	sand.u32 $0x1, s1  }
0x8c: {  	s17 =	sshll.u32 s0, $0xA;
	s2 =	sadd.s32 s3, s2  }
0x8d: {  	s2 =	sadd.s32 s2, s17  }
0x8e: {  	[smem:$0x3FC6] =	sst s2  }
0x8f: {  	_ = 	snop  }
0x90: {  	s2 =	sld [smem:$0x3FC9]  }
0x91: {  	s18 =	sld [smem:$0x3FD0];
	(tm) =	ssettm $0x1  }
0x92: {  	s4 =	sld [smem:$0x3FFB];
	_ =	sdelay $0x3  }
0x93: {  	_ =	strace s4  }
0x94: {  	s4 =	sld [smem:$0x3FFC];
	_ =	sdelay $0x3  }
0x95: {  	_ =	strace s4  }
0x96: {  	s4 =	sld [smem:$0x3FFD];
	_ =	sdelay $0x3  }
0x97: {  	_ =	strace s4  }
0x98: {  	_ =	strace $0x8FFFFFFF  }
0x99: {  	s19 =	sld [smem:$0x3FDB];
	_ =	sdelay $0x1  }
0x9a: {  	s5 =	simm.s32 $_scs_section_size  }
0x9b: {  	s6 =	simm.s32 $_size__tile_overlayer_lowered;
	s7 =	simm.s32 $_tile_overlayer_lowered  }
0x9c: {  	s22 =	simm.s32 $0x1BFF;
	s21 =	sshll.u32 s7, $0x1;
	s4 =	sadd.s32 s5, s19  }
0x9d: {  	s8 =	simm.s32 $0x0;
	s20 =	sshll.u32 s6, $0x1;
	s6 =	sadd.s32 s21, s4  }
0x9e: {  	[timem:s8], [sflag:s22] =	dma.local [hbm:s6], s20  }
0x9f: {  	_ =	swait.ge [sflag:s22], s20  }
0xa0: {  	s5 =	ssub.s32 $0x0, s20;
	[sflag:s22] =	ssyncset.done $0x0  }
0xa1: {  	[sflag:s22] =	ssyncadd.s32 s5;
	_ =	sdelay $0x1  }
0xa2: {  	s23 =	simm.s32 $0x1B8B  }
0xa3: {  	_ =	swait.ge [sflag:s23], $0x1  }
0xa4: {  	[sflag:s23] =	ssyncset.done $0x0  }
0xa5: {  	s25 =	simm.s32 $0x1B8E;
	s24 =	sld [smem:$0x3FFE];
	[sflag:s23] =	ssyncadd.s32 $0xFFFFFFFF  }
0xa6: {  	s26 =	simm.s32 $execute0_lowered;
	[smem:$0x3FD2] =	sst s25  }
0xa7: {  	s6 =	sshll.u32 s26, $0x1;
	_ =	strace $0x80000046;
	[dreg:$0x1] =	wrdreg $0xFFFFFFFF  }
0xa8: {  	s28 =	simm.s32 $_size_execute0_lowered;
	s4 =	sadd.s32 s4, s6;
	[dreg:$0x0] =	wrdreg $0x0  }
0xa9: {  	s6 =	sshll.u32 s28, $0x1;
	[dreg:$0x2] =	wrdreg s4  }
0xaa: {  	[dreg:$0x3] =	wrdreg s6  }
0xab: {  	[dreg:$0x4] =	wrdreg $0xC0  }
0xac: {  	_ =	task [dreg:s8], $0x5FFFF  }
0xad: {  	[dreg:$0x1] =	wrdreg $0xFFFFFFFF  }
0xae: {  	[dreg:$0x0] =	wrdreg $0x60  }
0xaf: {  	[dreg:$0x2] =	wrdreg s2  }
0xb0: {  	[dreg:$0x3] =	wrdreg s24  }
0xb1: {  	[dreg:$0x4] =	wrdreg s18  }
0xb2: {  	[dreg:$0x5] =	wrdreg $0x9  }
0xb3: {  	_ =	task.clear_ibuf [dreg:s8], $0x6FFFF;
	_ =	strace $0x90000046  }
0xb4: {  	s29 =	simm.s32 $0x9;
	_ =	strace $0x80000048  }
0xb5: {  	_ =	swait.ge [sflag:s29], $0x1  }
0xb6: {  	[sflag:s29] =	ssyncadd.s32 $0xFFFFFFFF  }
0xb7: {  	_ =	strace $0x90000048  }
0xb8: {  	_ =	sfence  }
0xb9: {  	s30 =	sld [smem:$0x0];
	_ =	sdelay $0x2  }
0xba: {  	s31 =	sshll.u32 s1, $0xD;
	s1 =	sshrl.u32 s1, $0x2  }
0xbb: {  	s3 =	sand.u32 $0x4000, s31;
	s1 =	sadd.s32 s1, s30  }
0xbc: {  	s0 =	sor.u32 s3, s0;
	s1 =	sshll.u32 s1, $0x11  }
0xbd: {  	s0 =	sor.u32 s1, s0  }
0xbe: {  	s0 =	sadd.s32 $0x8F2B, s0  }
0xbf: {  	[sflag:s0] =	ssyncadd.remote.s32 $0x1  }
0xc0: {  	_ =	sfence.sel $0xFFFF  }
0xc1: {  	[dreg:$0x0] =	wrdreg $0xFFFFFFFF;
	(pc) =	sbr.abs _section_cstart, $3  }
0xc2: {  	[dreg:$0x1] =	wrdreg $0xFFFFFFFF  }
0xc3: {  	_ =	task.clear_ibuf [dreg:s8], $0x2FFFF;
	_ =	strace $0x9FFFFFFF  }
0xc4: {  	(tm) =	ssettm $0x7FFFFFFF  }
0xc5: {  	_ =	shalt  }
tec
execute0_lowered:
.L_overlay_start_1:
0x0: {  	(tag) =	ssettag $0x1  }
0x1: {  	s1 =	rddreg [dreg:$0x0]  }
0x2: {  	s3 =	rddreg [dreg:$0x1];
	s0 =	srdreg.scid  }
0x3: {  	s2 =	stileid.u32;
	s4 =	rddreg [dreg:$0x2]  }
0x4: {  	s5 =	simm.s32 $0x0;
	s18 =	simm.s32 $0x1;
	s19 =	simm.s32 $0x200  }
0x5: {  	s20 =	simm.s32 $0x2;
	s21 =	simm.s32 $0xF200;
	s28 =	simm.s32 $0x1BA00  }
0x6: {  	s29 =	simm.s32 $0x1C200;
	s0 =	sand.u32 $0x1, s0;
	s2 =	sshll.u32 s2, $0x1  }
0x7: {  	s30 =	simm.s32 $0x1CA00;
	s31 =	simm.s32 $0x1D200;
	s6 =	sor.u32 s0, s2  }
0x8: {  	s15 =	simm.s32 $0x0;
	s0 =	ssub.s32 $0x2, s0;
	s2 =	smul.u32 $0x78, s6  }
0x9: {  	[smem:$0x7FF] =	sst s5;
	s8 =	sshrl.u32 s0, $0x1;
	s10 =	smul.u32 $0xF00, s6  }
0xa: {  	s7 =	sadd.s32 $0x5400, s3;
	_ =	strace $0x80000047;
	s0 =	ssub.s32 s0, s8  }
0xb: {  	s22 =	sshrl.u32 s2, $0x3;
	s2 =	sadd.s32 $0xF00, s2;
	s26 =	sadd.s32 s1, s10  }
0xc: {  	s0 =	smax.u32 s0, $0x1;
	s9 =	sadd.s32 s7, s22;
	[dreg:$0x8] =	wrdreg s26  }
0xd: {  	s23 =	sshrl.u32 s2, $0x3;
	s8 =	sadd.s32 s3, s22;
	[dreg:$0xa] =	wrdreg s0  }
.Ltmp0:
0xe: {  	s2 =	sshll.u32 s2, $0x5;
	[dreg:$0x4] =	wrdreg s9;
	(pc) =	sbr.rel .LBB2_1-.Ltmp0, $4  }
0xf: {  	s22 =	simm.s32 $0x6;
	[dreg:$0x5] =	wrdreg s8;
	s24 =	sadd.s32 s7, s23  }
0x10: {  	v2 =	vlaneseq.u32;
	s26 =	simm.s32 $0x1B200;
	s25 =	sadd.s32 s3, s23;
	[dreg:$0x6] =	wrdreg s24  }
0x11: {  	vm0 =	vmmov $0xffff;
	v1 =	vshrl.u32 v2, $0x3;
	s0 =	simm.s32 $0x5;
	s2 =	sadd.s32 s1, s2;
	[dreg:$0x7] =	wrdreg s25  }
0x12: {  	v0 =	vand.u32 $0x7, v2;
	v2 =	vor.u32 $0x8, v2;
	v1 =	vmul.u32 $0x8, v1;
	[dreg:$0x9] =	wrdreg s2;
	s25 =	simm.s32 $0x1AA00;
	s2 =	simm.s32 $0x1DA00  }
.LBB2_19:
0x13: {  	_ =	swait.ge [sflag:s0], $0x7800  }
0x14: {  	[sflag:s0] =	ssyncset.done $0x0  }
0x15: {  	[sflag:s0] =	ssyncadd.s32 $0xFFFF8800  }
0x16: {  	_ =	swait.ge [sflag:s22], $0x7800  }
0x17: {  	s15 =	sadd.s32 $0x1, s15;
	s8 =	rddreg [dreg:$0xa]  }
0x18: {  	p0 =	sne.s32 s15, s8  }
.Ltmp1:
0x19: {  	_ = 	snop;
	(pc) =	sbr.rel @!p0 .LBB2_20-.Ltmp1, $3  }
0x1a: {  	_ =	sdelay $0x1  }
0x1b: {  	[sflag:s22] =	ssyncset.done $0x0  }
0x1c: {  	[sflag:s22] =	ssyncadd.s32 $0xFFFF8800  }
.LBB2_1:
0x1d: {  	s8 =	rddreg [dreg:$0x4]  }
0x1e: {  	[tilespmem:s5], [sflag:$0x1] =	stream.linear.gather [hbm4b:s8+s5], $0x78, $0x38;
	[tilespmem:$0x1E200] =	vst v63  }
0x1f: {  	s12 =	rddreg [dreg:$0x5];
	s9 =	simm.s32 $0x78  }
0x20: {  	[tilespmem:s9], [sflag:$0x1] =	stream.linear.gather [hbm4b:s12+s5], $0x78, $0x38;
	[tilespmem:$0x1E200] =	vst v63  }
0x21: {  	s13 =	rddreg [dreg:$0x6];
	s14 =	simm.s32 $0x100  }
0x22: {  	[tilespmem:s14], [sflag:$0x2] =	stream.linear.gather [hbm4b:s13+s5], $0x78, $0x38;
	[tilespmem:$0x1E200] =	vst v63  }
0x23: {  	s16 =	rddreg [dreg:$0x7];
	s17 =	simm.s32 $0x178  }
0x24: {  	[tilespmem:s17], [sflag:$0x2] =	stream.linear.gather [hbm4b:s16+s5], $0x78, $0x38;
	[tilespmem:$0x1E200] =	vst v63  }
0x25: {  	_ =	swait.ge [sflag:s18], $0x78  }
0x26: {  	[sflag:s18] =	ssyncset.done $0x0  }
0x27: {  	[sflag:s18] =	ssyncadd.s32 $0xFFFFFF88  }
0x28: {  	_ =	swait.ge [sflag:s18], $0x78  }
0x29: {  	[sflag:s18] =	ssyncset.done $0x0  }
0x2a: {  	s23 =	rddreg [dreg:$0x8];
	[sflag:s18] =	ssyncadd.s32 $0xFFFFFF88  }
0x2b: {  	[tilespmem:s19], [sflag:$0x3] =	stream.linear.gather [hbm4b:s23+s5], $0x7800, $0x38;
	[tilespmem:$0x1E200] =	vst v63  }
0x2c: {  	_ =	swait.ge [sflag:s20], $0x78  }
0x2d: {  	[sflag:s20] =	ssyncset.done $0x0  }
.Ltmp2:
0x2e: {  	[sflag:s20] =	ssyncadd.s32 $0xFFFFFF88;
	(pc) =	sbr.rel .LBB2_2-.Ltmp2, $4  }
0x2f: {  	_ =	swait.ge [sflag:s20], $0x78  }
0x30: {  	[sflag:s20] =	ssyncset.done $0x0  }
0x31: {  	s16 =	simm.s32 $0x0;
	s24 =	rddreg [dreg:$0x9];
	[sflag:s20] =	ssyncadd.s32 $0xFFFFFF88  }
0x32: {  	[tilespmem:s21], [sflag:$0x4] =	stream.linear.gather [hbm4b:s24+s5], $0x7800, $0x38;
	[tilespmem:$0x1E200] =	vst v63  }
.LBB2_18:
0x33: {  	s16 =	sadd.s32 $0x1, s16  }
0x34: {  	p0 =	sne.s32 s16, $0x2D  }
.Ltmp3:
0x35: {  	_ = 	snop;
	(pc) =	sbr.rel @!p0 .LBB2_19-.Ltmp3, $1  }
0x36: {  	_ =	sdelay $0x3  }
.LBB2_2:
0x37: {  	s10 =	sand.u32 $0x1, s16  }
0x38: {  	p0 =	seq.s32 s10, $0x1  }
.Ltmp4:
0x39: {  	s9 =	sshll.u32 s16, $0x5;
	(pc) =	sbr.rel @p0 .LBB2_12-.Ltmp4, $3  }
0x3a: {  	s8 =	sor.u32 s6, s9  }
0x3b: {  	s11 =	smul.u32 $0x78, s8;
	_ =	sdelay $0x1  }
0x3c: {  	s17 =	smin.u32 s11, $0x29798  }
0x3d: {  	p1 =	sgt.u32 s8, $0x52  }
0x3e: {  	s12 =	simm.s32 @p1 $0x3  }
0x3f: {  	_ =	swait.ge @p1 [sflag:s12], $0x4000  }
0x40: {  	[sflag:s12] =	ssyncset.done @p1 $0x0  }
0x41: {  	[sflag:s12] =	ssyncadd.s32 @p1 $0xFFFFC000  }
0x42: {  	_ =	swait.ge @p1 [sflag:s12], $0x3800  }
0x43: {  	[sflag:s12] =	ssyncset.done @p1 $0x0  }
0x44: {  	[sflag:s12] =	ssyncadd.s32 @p1 $0xFFFFC800  }
0x45: {  	_ =	swait.ge @p1 [sflag:s12], $0x4000  }
0x46: {  	[sflag:s12] =	ssyncset.done @p1 $0x0  }
0x47: {  	s11 =	sadd.s32 $0x2, s16;
	p0 =	sgt.u32 s16, $0x2A;
	[sflag:s12] =	ssyncadd.s32 @p1 $0xFFFFC000  }
0x48: {  	s13 =	sshll.u32 @!p0 s11, $0x5;
	_ =	swait.ge @p1 [sflag:s12], $0x3800  }
0x49: {  	s13 =	sor.u32 @!p0 s6, s13;
	[sflag:s12] =	ssyncset.done @p1 $0x0  }
0x4a: {  	s13 =	smul.u32 @!p0 $0x78, s13;
	[sflag:s12] =	ssyncadd.s32 @p1 $0xFFFFC800;
	s12 =	simm.s32 @!p1 $0x3  }
0x4b: {  	_ =	swait.ge @!p1 [sflag:s12], $0x7800  }
0x4c: {  	s13 =	smin.u32 @!p0 s13, $0x29798;
	[sflag:s12] =	ssyncset.done @!p1 $0x0  }
0x4d: {  	s13 =	sshrl.u32 @!p0 s13, $0x3;
	[sflag:s12] =	ssyncadd.s32 @!p1 $0xFFFF8800;
	p1 =	slt.u32 s8, $0x53  }
.Ltmp5:
0x4e: {  	s14 =	simm.s32 @!p0 $0x0;
	s12 =	sadd.s32 @!p0 s7, s13;
	(pc) =	sbr.rel @p1 .LBB2_7-.Ltmp5, $4  }
0x4f: {  	[tilespmem:s14], [sflag:$0x1] =	stream.linear.gather @!p0 [hbm4b:s12+s14], $0x78, $0x38;
	[tilespmem:$0x1E200] =	vst v63  }
0x50: {  	s12 =	sadd.s32 @!p0 s3, s13;
	s13 =	simm.s32 @!p0 $0x78  }
0x51: {  	[tilespmem:s13], [sflag:$0x1] =	stream.linear.gather @!p0 [hbm4b:s12+s14], $0x78, $0x38;
	[tilespmem:$0x1E200] =	vst v63  }
0x52: {  	s12 =	simm.s32 $0x0  }
0x53: {  	s13 =	sand.u32 $0x7800, s12;
	s24 =	sand.u32 $0x380, s12  }
0x54: {  	s12 =	sor.u32 s24, s13  }
0x55: {  	v10 =	vld [tilespmem:s12+$0x7A00]  }
0x56: {  	v11 =	vld [tilespmem:s12+$0x7A10]  }
0x57: {  	v12 =	vld [tilespmem:s12+$0x7A20]  }
0x58: {  	v13 =	vld [tilespmem:s12+$0x7A30]  }
0x59: {  	v14 =	vld [tilespmem:s12+$0x7A40]  }
0x5a: {  	v15 =	vld [tilespmem:s12+$0x7A50]  }
0x5b: {  	v16 =	vld [tilespmem:s12+$0x7A60]  }
0x5c: {  	v18 =	vld [tilespmem:s12+$0x7A70]  }
0x5d: {  	v19 =	vld [tilespmem:s12+$0x7E00]  }
0x5e: {  	v9 =	vld [tilespmem:s12+$0x7E10]  }
0x5f: {  	v8 =	vld [tilespmem:s12+$0x7E20]  }
0x60: {  	v7 =	vld [tilespmem:s12+$0x7E30]  }
0x61: {  	v6 =	vld [tilespmem:s12+$0x7E40]  }
0x62: {  	v5 =	vld [tilespmem:s12+$0x7E50]  }
0x63: {  	v4 =	vld [tilespmem:s12+$0x7E60]  }
0x64: {  	v3 =	vld [tilespmem:s12+$0x7E70]  }
0x65: {  	v17 =	vld [tilespmem:s12+$0x200]  }
0x66: {  	v20 =	vld [tilespmem:s12+$0x210]  }
0x67: {  	v21 =	vld [tilespmem:s12+$0x220]  }
0x68: {  	v22 =	vld [tilespmem:s12+$0x230]  }
0x69: {  	v23 =	vld [tilespmem:s12+$0x240]  }
0x6a: {  	v10 =	vadd.f32 v10, v17;
	v17 =	vld [tilespmem:s12+$0x250]  }
0x6b: {  	v11 =	vadd.f32 v11, v20;
	v20 =	vld [tilespmem:s12+$0x260]  }
0x6c: {  	v63 =	vld [tilespmem:s12+$0x270];
	v12 =	vadd.f32 v12, v21;
	v10 =	vmul.f32 $5.000000000e-01, v10  }
0x6d: {  	v24 =	vld [tilespmem:s12+$0x600];
	v22 =	vadd.f32 v13, v22;
	v11 =	vmul.f32 $5.000000000e-01, v11  }
0x6e: {  	v14 =	vadd.f32 v14, v23;
	v13 =	vld [tilespmem:s12+$0x610];
	[tilespmem:s12+$0x200] =	vst v10;
	v10 =	vmul.f32 $5.000000000e-01, v12  }
0x6f: {  	[tilespmem:s12+$0x210] =	vst v11;
	v11 =	vmul.f32 $5.000000000e-01, v22;
	v12 =	vld [tilespmem:s12+$0x620];
	v15 =	vadd.f32 v15, v17  }
0x70: {  	v14 =	vmul.f32 $5.000000000e-01, v14;
	v16 =	vadd.f32 v16, v20;
	[tilespmem:s12+$0x220] =	vst v10;
	v10 =	vld [tilespmem:s12+$0x630]  }
0x71: {  	v18 =	vadd.f32 v18, v63;
	[tilespmem:s12+$0x230] =	vst v11;
	v11 =	vld [tilespmem:s12+$0x640];
	v17 =	vmul.f32 $5.000000000e-01, v15  }
0x72: {  	s14 =	simm.s32 $0x100;
	s13 =	simm.s32 $0x80;
	[tilespmem:s12+$0x240] =	vst v14;
	v14 =	vld [tilespmem:s12+$0x650];
	v15 =	vmul.f32 $5.000000000e-01, v16;
	v16 =	vadd.f32 v19, v24  }
.LBB2_5:
0x73: {  	s23 =	sand.u32 $0x7800, s14;
	s24 =	sand.u32 $0x380, s13;
	p1 =	sne.s32 s14, $0x7700;
	[tilespmem:s12+$0x250] =	vst v17;
	v17 =	vmul.f32 $5.000000000e-01, v18;
	v9 =	vadd.f32 v9, v13;
	v13 =	vld [tilespmem:s12+$0x660]  }
0x74: {  	s23 =	sor.u32 s24, s23;
	[tilespmem:s12+$0x260] =	vst v15;
	v15 =	vmul.f32 $5.000000000e-01, v16;
	v8 =	vadd.f32 v8, v12;
	v12 =	vld [tilespmem:s12+$0x670]  }
0x75: {  	v16 =	vld [tilespmem:s23+$0x7A00];
	[tilespmem:s12+$0x270] =	vst v17;
	v9 =	vmul.f32 $5.000000000e-01, v9;
	v7 =	vadd.f32 v7, v10  }
0x76: {  	v10 =	vld [tilespmem:s23+$0x7A10];
	[tilespmem:s12+$0x600] =	vst v15;
	v8 =	vmul.f32 $5.000000000e-01, v8;
	v6 =	vadd.f32 v6, v11  }
0x77: {  	v11 =	vld [tilespmem:s23+$0x7A20];
	[tilespmem:s12+$0x610] =	vst v9;
	v7 =	vmul.f32 $5.000000000e-01, v7;
	v5 =	vadd.f32 v5, v14  }
0x78: {  	v14 =	vld [tilespmem:s23+$0x7A30];
	[tilespmem:s12+$0x620] =	vst v8;
	v6 =	vmul.f32 $5.000000000e-01, v6;
	v4 =	vadd.f32 v4, v13  }
0x79: {  	v13 =	vld [tilespmem:s23+$0x7A40];
	[tilespmem:s12+$0x630] =	vst v7;
	v5 =	vmul.f32 $5.000000000e-01, v5;
	v3 =	vadd.f32 v3, v12  }
0x7a: {  	v12 =	vld [tilespmem:s23+$0x7A50];
	[tilespmem:s12+$0x640] =	vst v6;
	v4 =	vmul.f32 $5.000000000e-01, v4  }
0x7b: {  	v15 =	vld [tilespmem:s23+$0x7A60];
	[tilespmem:s12+$0x650] =	vst v5;
	v3 =	vmul.f32 $5.000000000e-01, v3  }
0x7c: {  	v18 =	vld [tilespmem:s23+$0x7A70];
	[tilespmem:s12+$0x660] =	vst v4  }
0x7d: {  	v19 =	vld [tilespmem:s23+$0x7E00];
	[tilespmem:s12+$0x670] =	vst v3;
	s12 =	smov.u32 s23  }
0x7e: {  	v9 =	vld [tilespmem:s12+$0x7E10]  }
0x7f: {  	v8 =	vld [tilespmem:s12+$0x7E20]  }
0x80: {  	v7 =	vld [tilespmem:s12+$0x7E30]  }
0x81: {  	v6 =	vld [tilespmem:s12+$0x7E40]  }
0x82: {  	v5 =	vld [tilespmem:s12+$0x7E50]  }
0x83: {  	v4 =	vld [tilespmem:s12+$0x7E60]  }
0x84: {  	v3 =	vld [tilespmem:s12+$0x7E70]  }
0x85: {  	v17 =	vld [tilespmem:s12+$0x200]  }
0x86: {  	v20 =	vld [tilespmem:s12+$0x210]  }
0x87: {  	v21 =	vld [tilespmem:s12+$0x220]  }
0x88: {  	v22 =	vld [tilespmem:s12+$0x230]  }
0x89: {  	v23 =	vld [tilespmem:s12+$0x240]  }
0x8a: {  	v16 =	vadd.f32 v16, v17;
	v17 =	vld [tilespmem:s12+$0x250]  }
0x8b: {  	v10 =	vadd.f32 v10, v20;
	v20 =	vld [tilespmem:s12+$0x260]  }
0x8c: {  	v16 =	vmul.f32 $5.000000000e-01, v16;
	v11 =	vadd.f32 v11, v21;
	v21 =	vld [tilespmem:s12+$0x270]  }
0x8d: {  	v10 =	vmul.f32 $5.000000000e-01, v10;
	v14 =	vadd.f32 v14, v22;
	v22 =	vld [tilespmem:s12+$0x600]  }
.Ltmp6:
0x8e: {  	[tilespmem:s12+$0x200] =	vst v16;
	v11 =	vmul.f32 $5.000000000e-01, v11;
	v16 =	vadd.f32 v13, v23;
	v13 =	vld [tilespmem:s12+$0x610];
	(pc) =	sbr.rel @p1 .LBB2_5-.Ltmp6, $4  }
0x8f: {  	[tilespmem:s12+$0x210] =	vst v10;
	v14 =	vmul.f32 $5.000000000e-01, v14;
	v17 =	vadd.f32 v12, v17;
	v12 =	vld [tilespmem:s12+$0x620]  }
0x90: {  	[tilespmem:s12+$0x220] =	vst v11;
	v16 =	vmul.f32 $5.000000000e-01, v16;
	v15 =	vadd.f32 v15, v20;
	v10 =	vld [tilespmem:s12+$0x630]  }
0x91: {  	[tilespmem:s12+$0x230] =	vst v14;
	v17 =	vmul.f32 $5.000000000e-01, v17;
	v18 =	vadd.f32 v18, v21;
	v11 =	vld [tilespmem:s12+$0x640]  }
0x92: {  	s13 =	sadd.s32 $0x80, s13;
	s14 =	sadd.s32 $0x100, s14;
	[tilespmem:s12+$0x240] =	vst v16;
	v15 =	vmul.f32 $5.000000000e-01, v15;
	v16 =	vadd.f32 v19, v22;
	v14 =	vld [tilespmem:s12+$0x650]  }
0x93: {  	[tilespmem:s12+$0x250] =	vst v17;
	v60 =	vmul.f32 $5.000000000e-01, v18;
	v9 =	vadd.f32 v9, v13;
	v61 =	vld [tilespmem:s12+$0x660]  }
0x94: {  	v63 =	vld [tilespmem:s12+$0x670];
	[tilespmem:s12+$0x260] =	vst v15;
	v62 =	vmul.f32 $5.000000000e-01, v16;
	v8 =	vadd.f32 v8, v12  }
0x95: {  	[tilespmem:s12+$0x270] =	vst v60;
	v9 =	vmul.f32 $5.000000000e-01, v9;
	v7 =	vadd.f32 v7, v10  }
0x96: {  	[tilespmem:s12+$0x600] =	vst v62;
	v8 =	vmul.f32 $5.000000000e-01, v8;
	v6 =	vadd.f32 v6, v11  }
0x97: {  	[tilespmem:s12+$0x610] =	vst v9;
	v7 =	vmul.f32 $5.000000000e-01, v7;
	v5 =	vadd.f32 v5, v14  }
0x98: {  	[tilespmem:s12+$0x620] =	vst v8;
	v6 =	vmul.f32 $5.000000000e-01, v6;
	v4 =	vadd.f32 v4, v61  }
0x99: {  	v3 =	vadd.f32 v3, v63;
	[tilespmem:s12+$0x630] =	vst v7;
	v5 =	vmul.f32 $5.000000000e-01, v5  }
0x9a: {  	[tilespmem:s12+$0x640] =	vst v6;
	v4 =	vmul.f32 $5.000000000e-01, v4  }
0x9b: {  	v3 =	vmul.f32 $5.000000000e-01, v3;
	[tilespmem:s12+$0x650] =	vst v5  }
0x9c: {  	[tilespmem:s12+$0x660] =	vst v4  }
0x9d: {  	[tilespmem:s12+$0x670] =	vst v3  }
.LBB2_7:
.Ltmp7:
0x9e: {  	(pc) =	sbr.rel @p0 .LBB2_11-.Ltmp7, $4  }
0x9f: {  	_ = 	snop  }
0xa0: {  	s12 =	sshll.u32 s17, $0x5  }
0xa1: {  	s12 =	sadd.s32 s4, s12  }
0xa2: {  	[hbm4b:s12+s5] =	stream.linear.scatter [tilespmem:s19], [sflag:$0x5], $0x7800, $0x38;
	[tilespmem:$0x1E200] =	vst v63  }
0xa3: {  	_ =	swait.ge [sflag:s0], $0x7800  }
0xa4: {  	s11 =	sshll.u32 s11, $0x5;
	[sflag:s0] =	ssyncset.done $0x0  }
0xa5: {  	s11 =	sor.u32 s6, s11;
	[sflag:s0] =	ssyncadd.s32 $0xFFFF8800  }
0xa6: {  	p0 =	sgt.u32 s11, $0x52;
	_ =	swait.ge [sflag:s18], $0x78  }
.Ltmp8:
0xa7: {  	[sflag:s18] =	ssyncset.done $0x0;
	(pc) =	sbr.rel @p0 .LBB2_10-.Ltmp8, $4  }
0xa8: {  	[sflag:s18] =	ssyncadd.s32 $0xFFFFFF88  }
0xa9: {  	_ =	swait.ge [sflag:s18], $0x78  }
0xaa: {  	[sflag:s18] =	ssyncset.done $0x0  }
0xab: {  	[sflag:s18] =	ssyncadd.s32 $0xFFFFFF88  }
.Ltmp9:
0xac: {  	(pc) =	sbr.rel .LBB2_11-.Ltmp9, $3  }
0xad: {  	s11 =	smul.u32 $0xF00, s11;
	_ =	sdelay $0x1  }
0xae: {  	s11 =	sadd.s32 s1, s11  }
0xaf: {  	[tilespmem:s19], [sflag:$0x3] =	stream.linear.gather [hbm4b:s11+s5], $0x7800, $0x38;
	[tilespmem:$0x1E200] =	vst v63  }
.LBB2_10:
0xb0: {  	v3 =	vld [tilespmem:$0x0];
	_ =	sdelay $0x4  }
0xb1: {  	v4 =	vshll.u32 v3, $0x1  }
0xb2: {  	v3 =	vand.u32 $0x7, v3;
	v4 =	vand.u32 $0xFFFFFFF0, v4  }
0xb3: {  	v3 =	vor.u32 v3, v4  }
0xb4: {  	v4 =	vperm.xlane v3, v0;
	_ =	sdelay $0x1  }
0xb5: {  	v3 =	vperm.xlane v3, v2;
	v4 =	vadd.s32 v1, v4;
	_ =	sdelay $0x1  }
0xb6: {  	v3 =	vadd.s32 v1, v3;
	_ =	sdelay $0x2  }
0xb7: {  	[tilespmem:s19], [sflag:$0x3] =	stream.indirect_vreg.gather [hbm4b:s1+s5], $0x80, v4, vm0, $0xb8;
	[tilespmem:$0x1E200] =	vst v63  }
0xb8: {  	s11 =	simm.s32 $0xA00  }
0xb9: {  	[tilespmem:s11], [sflag:$0x3] =	stream.indirect_vreg.gather [hbm4b:s1+s5], $0x80, v3, vm0, $0xb8;
	[tilespmem:$0x1E200] =	vst v63  }
0xba: {  	v3 =	vld [tilespmem:$0x10];
	_ =	sdelay $0x4  }
0xbb: {  	v49 =	vshll.u32 v3, $0x1  }
0xbc: {  	v3 =	vand.u32 $0x7, v3;
	v4 =	vand.u32 $0xFFFFFFF0, v49  }
0xbd: {  	v3 =	vor.u32 v3, v4  }
0xbe: {  	v4 =	vperm.xlane v3, v0;
	_ =	sdelay $0x1  }
0xbf: {  	v3 =	vperm.xlane v3, v2;
	v4 =	vadd.s32 v1, v4;
	_ =	sdelay $0x1  }
0xc0: {  	v3 =	vadd.s32 v1, v3;
	_ =	sdelay $0x1  }
0xc1: {  	s14 =	simm.s32 $0x1200  }
0xc2: {  	[tilespmem:s14], [sflag:$0x3] =	stream.indirect_vreg.gather [hbm4b:s1+s5], $0x80, v4, vm0, $0xb8;
	[tilespmem:$0x1E200] =	vst v63  }
0xc3: {  	s23 =	simm.s32 $0x1A00  }
0xc4: {  	[tilespmem:s23], [sflag:$0x3] =	stream.indirect_vreg.gather [hbm4b:s1+s5], $0x80, v3, vm0, $0xb8;
	[tilespmem:$0x1E200] =	vst v63  }
0xc5: {  	v3 =	vld [tilespmem:$0x20];
	_ =	sdelay $0x4  }
0xc6: {  	v50 =	vshll.u32 v3, $0x1  }
0xc7: {  	v3 =	vand.u32 $0x7, v3;
	v4 =	vand.u32 $0xFFFFFFF0, v50  }
0xc8: {  	v3 =	vor.u32 v3, v4  }
0xc9: {  	v4 =	vperm.xlane v3, v0;
	_ =	sdelay $0x1  }
0xca: {  	v3 =	vperm.xlane v3, v2;
	v4 =	vadd.s32 v1, v4;
	_ =	sdelay $0x1  }
0xcb: {  	v3 =	vadd.s32 v1, v3;
	_ =	sdelay $0x1  }
0xcc: {  	s24 =	simm.s32 $0x2200  }
0xcd: {  	[tilespmem:s24], [sflag:$0x3] =	stream.indirect_vreg.gather [hbm4b:s1+s5], $0x80, v4, vm0, $0xb8;
	[tilespmem:$0x1E200] =	vst v63  }
0xce: {  	s12 =	simm.s32 $0x2A00  }
0xcf: {  	[tilespmem:s12], [sflag:$0x3] =	stream.indirect_vreg.gather [hbm4b:s1+s5], $0x80, v3, vm0, $0xb8;
	[tilespmem:$0x1E200] =	vst v63  }
0xd0: {  	v3 =	vld [tilespmem:$0x30];
	_ =	sdelay $0x4  }
0xd1: {  	v51 =	vshll.u32 v3, $0x1  }
0xd2: {  	v3 =	vand.u32 $0x7, v3;
	v4 =	vand.u32 $0xFFFFFFF0, v51  }
0xd3: {  	v3 =	vor.u32 v3, v4  }
0xd4: {  	v4 =	vperm.xlane v3, v0;
	_ =	sdelay $0x1  }
0xd5: {  	v3 =	vperm.xlane v3, v2;
	v4 =	vadd.s32 v1, v4;
	_ =	sdelay $0x1  }
0xd6: {  	v3 =	vadd.s32 v1, v3;
	_ =	sdelay $0x1  }
0xd7: {  	s13 =	simm.s32 $0x3200  }
0xd8: {  	[tilespmem:s13], [sflag:$0x3] =	stream.indirect_vreg.gather [hbm4b:s1+s5], $0x80, v4, vm0, $0xb8;
	[tilespmem:$0x1E200] =	vst v63  }
0xd9: {  	s14 =	simm.s32 $0x3A00  }
0xda: {  	[tilespmem:s14], [sflag:$0x3] =	stream.indirect_vreg.gather [hbm4b:s1+s5], $0x80, v3, vm0, $0xb8;
	[tilespmem:$0x1E200] =	vst v63  }
0xdb: {  	v3 =	vld [tilespmem:$0x40];
	_ =	sdelay $0x4  }
0xdc: {  	v52 =	vshll.u32 v3, $0x1  }
0xdd: {  	v3 =	vand.u32 $0x7, v3;
	v4 =	vand.u32 $0xFFFFFFF0, v52  }
0xde: {  	v3 =	vor.u32 v3, v4  }
0xdf: {  	v4 =	vperm.xlane v3, v0;
	_ =	sdelay $0x1  }
0xe0: {  	v3 =	vperm.xlane v3, v2;
	v4 =	vadd.s32 v1, v4;
	_ =	sdelay $0x1  }
0xe1: {  	v3 =	vadd.s32 v1, v3;
	_ =	sdelay $0x1  }
0xe2: {  	s23 =	simm.s32 $0x4200  }
0xe3: {  	[tilespmem:s23], [sflag:$0x3] =	stream.indirect_vreg.gather [hbm4b:s1+s5], $0x80, v4, vm0, $0xb8;
	[tilespmem:$0x1E200] =	vst v63  }
0xe4: {  	s24 =	simm.s32 $0x4A00  }
0xe5: {  	[tilespmem:s24], [sflag:$0x3] =	stream.indirect_vreg.gather [hbm4b:s1+s5], $0x80, v3, vm0, $0xb8;
	[tilespmem:$0x1E200] =	vst v63  }
0xe6: {  	v3 =	vld [tilespmem:$0x50];
	_ =	sdelay $0x4  }
0xe7: {  	v53 =	vshll.u32 v3, $0x1  }
0xe8: {  	v3 =	vand.u32 $0x7, v3;
	v4 =	vand.u32 $0xFFFFFFF0, v53  }
0xe9: {  	v3 =	vor.u32 v3, v4  }
0xea: {  	v4 =	vperm.xlane v3, v0;
	_ =	sdelay $0x1  }
0xeb: {  	v3 =	vperm.xlane v3, v2;
	v4 =	vadd.s32 v1, v4;
	_ =	sdelay $0x1  }
0xec: {  	v3 =	vadd.s32 v1, v3;
	_ =	sdelay $0x1  }
0xed: {  	s12 =	simm.s32 $0x5200  }
0xee: {  	[tilespmem:s12], [sflag:$0x3] =	stream.indirect_vreg.gather [hbm4b:s1+s5], $0x80, v4, vm0, $0xb8;
	[tilespmem:$0x1E200] =	vst v63  }
0xef: {  	s13 =	simm.s32 $0x5A00  }
0xf0: {  	[tilespmem:s13], [sflag:$0x3] =	stream.indirect_vreg.gather [hbm4b:s1+s5], $0x80, v3, vm0, $0xb8;
	[tilespmem:$0x1E200] =	vst v63  }
0xf1: {  	v3 =	vld [tilespmem:$0x60];
	_ =	sdelay $0x4  }
0xf2: {  	v54 =	vshll.u32 v3, $0x1  }
0xf3: {  	v3 =	vand.u32 $0x7, v3;
	v4 =	vand.u32 $0xFFFFFFF0, v54  }
0xf4: {  	v3 =	vor.u32 v3, v4  }
0xf5: {  	v4 =	vperm.xlane v3, v0;
	_ =	sdelay $0x1  }
0xf6: {  	v3 =	vperm.xlane v3, v2;
	v4 =	vadd.s32 v1, v4;
	_ =	sdelay $0x1  }
0xf7: {  	v3 =	vadd.s32 v1, v3;
	_ =	sdelay $0x1  }
0xf8: {  	s14 =	simm.s32 $0x6200  }
0xf9: {  	[tilespmem:s14], [sflag:$0x3] =	stream.indirect_vreg.gather [hbm4b:s1+s5], $0x80, v4, vm0, $0xb8;
	[tilespmem:$0x1E200] =	vst v63  }
0xfa: {  	s23 =	simm.s32 $0x6A00  }
0xfb: {  	[tilespmem:s23], [sflag:$0x3] =	stream.indirect_vreg.gather [hbm4b:s1+s5], $0x80, v3, vm0, $0xb8;
	[tilespmem:$0x1E200] =	vst v63  }
0xfc: {  	v3 =	vld.msk [tilespmem:$0x70], $0xff;
	_ =	sdelay $0x4  }
0xfd: {  	v55 =	vshll.u32 v3, $0x1  }
0xfe: {  	v3 =	vand.u32 $0x7, v3;
	v4 =	vand.u32 $0xFFFFFFF0, v55  }
0xff: {  	v3 =	vor.u32 v3, v4  }
0x100: {  	v3 =	vperm.xlane v3, v0;
	_ =	sdelay $0x1  }
0x101: {  	v3 =	vadd.s32 v1, v3;
	_ =	sdelay $0x3  }
0x102: {  	s24 =	simm.s32 $0x7200  }
0x103: {  	[tilespmem:s24], [sflag:$0x3] =	stream.indirect_vreg.gather [hbm4b:s1+s5], $0x80, v3, vm0, $0xb8;
	[tilespmem:$0x1E200] =	vst v63  }
0x104: {  	v3 =	vld [tilespmem:$0x78];
	_ =	sdelay $0x4  }
0x105: {  	v56 =	vshll.u32 v3, $0x1  }
0x106: {  	v3 =	vand.u32 $0x7, v3;
	v4 =	vand.u32 $0xFFFFFFF0, v56  }
0x107: {  	v3 =	vor.u32 v3, v4  }
0x108: {  	v4 =	vperm.xlane v3, v0;
	_ =	sdelay $0x1  }
0x109: {  	v3 =	vperm.xlane v3, v2;
	v4 =	vadd.s32 v1, v4;
	_ =	sdelay $0x1  }
0x10a: {  	v3 =	vadd.s32 v1, v3;
	_ =	sdelay $0x1  }
0x10b: {  	s12 =	simm.s32 $0x7A00  }
0x10c: {  	[tilespmem:s12], [sflag:$0x3] =	stream.indirect_vreg.gather [hbm4b:s1+s5], $0x80, v4, vm0, $0xb8;
	[tilespmem:$0x1E200] =	vst v63  }
0x10d: {  	s13 =	simm.s32 $0x8200  }
0x10e: {  	[tilespmem:s13], [sflag:$0x3] =	stream.indirect_vreg.gather [hbm4b:s1+s5], $0x80, v3, vm0, $0xb8;
	[tilespmem:$0x1E200] =	vst v63  }
0x10f: {  	v3 =	vld [tilespmem:$0x88];
	_ =	sdelay $0x4  }
0x110: {  	v57 =	vshll.u32 v3, $0x1  }
0x111: {  	v3 =	vand.u32 $0x7, v3;
	v4 =	vand.u32 $0xFFFFFFF0, v57  }
0x112: {  	v3 =	vor.u32 v3, v4  }
0x113: {  	v4 =	vperm.xlane v3, v0;
	_ =	sdelay $0x1  }
0x114: {  	v3 =	vperm.xlane v3, v2;
	v4 =	vadd.s32 v1, v4;
	_ =	sdelay $0x1  }
0x115: {  	v3 =	vadd.s32 v1, v3;
	_ =	sdelay $0x1  }
0x116: {  	s14 =	simm.s32 $0x8A00  }
0x117: {  	[tilespmem:s14], [sflag:$0x3] =	stream.indirect_vreg.gather [hbm4b:s1+s5], $0x80, v4, vm0, $0xb8;
	[tilespmem:$0x1E200] =	vst v63  }
0x118: {  	s23 =	simm.s32 $0x9200  }
0x119: {  	[tilespmem:s23], [sflag:$0x3] =	stream.indirect_vreg.gather [hbm4b:s1+s5], $0x80, v3, vm0, $0xb8;
	[tilespmem:$0x1E200] =	vst v63  }
0x11a: {  	v3 =	vld [tilespmem:$0x98];
	_ =	sdelay $0x4  }
0x11b: {  	v58 =	vshll.u32 v3, $0x1  }
0x11c: {  	v3 =	vand.u32 $0x7, v3;
	v4 =	vand.u32 $0xFFFFFFF0, v58  }
0x11d: {  	v3 =	vor.u32 v3, v4  }
0x11e: {  	v4 =	vperm.xlane v3, v0;
	_ =	sdelay $0x1  }
0x11f: {  	v3 =	vperm.xlane v3, v2;
	v4 =	vadd.s32 v1, v4;
	_ =	sdelay $0x1  }
0x120: {  	v3 =	vadd.s32 v1, v3;
	_ =	sdelay $0x1  }
0x121: {  	s24 =	simm.s32 $0x9A00  }
0x122: {  	[tilespmem:s24], [sflag:$0x3] =	stream.indirect_vreg.gather [hbm4b:s1+s5], $0x80, v4, vm0, $0xb8;
	[tilespmem:$0x1E200] =	vst v63  }
0x123: {  	s12 =	simm.s32 $0xA200  }
0x124: {  	[tilespmem:s12], [sflag:$0x3] =	stream.indirect_vreg.gather [hbm4b:s1+s5], $0x80, v3, vm0, $0xb8;
	[tilespmem:$0x1E200] =	vst v63  }
0x125: {  	v3 =	vld [tilespmem:$0xA8];
	_ =	sdelay $0x4  }
0x126: {  	v59 =	vshll.u32 v3, $0x1  }
0x127: {  	v3 =	vand.u32 $0x7, v3;
	v4 =	vand.u32 $0xFFFFFFF0, v59  }
0x128: {  	v3 =	vor.u32 v3, v4  }
0x129: {  	v4 =	vperm.xlane v3, v0;
	_ =	sdelay $0x1  }
0x12a: {  	v3 =	vperm.xlane v3, v2;
	v4 =	vadd.s32 v1, v4;
	_ =	sdelay $0x1  }
0x12b: {  	v3 =	vadd.s32 v1, v3;
	_ =	sdelay $0x1  }
0x12c: {  	s13 =	simm.s32 $0xAA00  }
0x12d: {  	[tilespmem:s13], [sflag:$0x3] =	stream.indirect_vreg.gather [hbm4b:s1+s5], $0x80, v4, vm0, $0xb8;
	[tilespmem:$0x1E200] =	vst v63  }
0x12e: {  	s14 =	simm.s32 $0xB200  }
0x12f: {  	[tilespmem:s14], [sflag:$0x3] =	stream.indirect_vreg.gather [hbm4b:s1+s5], $0x80, v3, vm0, $0xb8;
	[tilespmem:$0x1E200] =	vst v63  }
0x130: {  	v3 =	vld [tilespmem:$0xB8];
	_ =	sdelay $0x4  }
0x131: {  	v60 =	vshll.u32 v3, $0x1  }
0x132: {  	v3 =	vand.u32 $0x7, v3;
	v4 =	vand.u32 $0xFFFFFFF0, v60  }
0x133: {  	v3 =	vor.u32 v3, v4  }
0x134: {  	v4 =	vperm.xlane v3, v0;
	_ =	sdelay $0x1  }
0x135: {  	v3 =	vperm.xlane v3, v2;
	v4 =	vadd.s32 v1, v4;
	_ =	sdelay $0x1  }
0x136: {  	v3 =	vadd.s32 v1, v3;
	_ =	sdelay $0x1  }
0x137: {  	s23 =	simm.s32 $0xBA00  }
0x138: {  	[tilespmem:s23], [sflag:$0x3] =	stream.indirect_vreg.gather [hbm4b:s1+s5], $0x80, v4, vm0, $0xb8;
	[tilespmem:$0x1E200] =	vst v63  }
0x139: {  	s24 =	simm.s32 $0xC200  }
0x13a: {  	[tilespmem:s24], [sflag:$0x3] =	stream.indirect_vreg.gather [hbm4b:s1+s5], $0x80, v3, vm0, $0xb8;
	[tilespmem:$0x1E200] =	vst v63  }
0x13b: {  	v3 =	vld [tilespmem:$0xC8];
	_ =	sdelay $0x4  }
0x13c: {  	v61 =	vshll.u32 v3, $0x1  }
0x13d: {  	v3 =	vand.u32 $0x7, v3;
	v4 =	vand.u32 $0xFFFFFFF0, v61  }
0x13e: {  	v3 =	vor.u32 v3, v4  }
0x13f: {  	v4 =	vperm.xlane v3, v0;
	_ =	sdelay $0x1  }
0x140: {  	v3 =	vperm.xlane v3, v2;
	v4 =	vadd.s32 v1, v4;
	_ =	sdelay $0x1  }
0x141: {  	v3 =	vadd.s32 v1, v3;
	_ =	sdelay $0x1  }
0x142: {  	s12 =	simm.s32 $0xCA00  }
0x143: {  	[tilespmem:s12], [sflag:$0x3] =	stream.indirect_vreg.gather [hbm4b:s1+s5], $0x80, v4, vm0, $0xb8;
	[tilespmem:$0x1E200] =	vst v63  }
0x144: {  	s13 =	simm.s32 $0xD200  }
0x145: {  	[tilespmem:s13], [sflag:$0x3] =	stream.indirect_vreg.gather [hbm4b:s1+s5], $0x80, v3, vm0, $0xb8;
	[tilespmem:$0x1E200] =	vst v63  }
0x146: {  	v3 =	vld [tilespmem:$0xD8];
	_ =	sdelay $0x4  }
0x147: {  	v62 =	vshll.u32 v3, $0x1  }
0x148: {  	v3 =	vand.u32 $0x7, v3;
	v4 =	vand.u32 $0xFFFFFFF0, v62  }
0x149: {  	v3 =	vor.u32 v3, v4  }
0x14a: {  	v4 =	vperm.xlane v3, v0;
	_ =	sdelay $0x1  }
0x14b: {  	v3 =	vperm.xlane v3, v2;
	v4 =	vadd.s32 v1, v4;
	_ =	sdelay $0x1  }
0x14c: {  	v3 =	vadd.s32 v1, v3;
	_ =	sdelay $0x1  }
0x14d: {  	s14 =	simm.s32 $0xDA00  }
0x14e: {  	[tilespmem:s14], [sflag:$0x3] =	stream.indirect_vreg.gather [hbm4b:s1+s5], $0x80, v4, vm0, $0xb8;
	[tilespmem:$0x1E200] =	vst v63  }
0x14f: {  	s23 =	simm.s32 $0xE200  }
0x150: {  	[tilespmem:s23], [sflag:$0x3] =	stream.indirect_vreg.gather [hbm4b:s1+s5], $0x80, v3, vm0, $0xb8;
	[tilespmem:$0x1E200] =	vst v63  }
0x151: {  	v3 =	vld.msk [tilespmem:$0xE8], $0xff;
	_ =	sdelay $0x4  }
0x152: {  	v63 =	vshll.u32 v3, $0x1  }
0x153: {  	v3 =	vand.u32 $0x7, v3;
	v4 =	vand.u32 $0xFFFFFFF0, v63  }
0x154: {  	v3 =	vor.u32 v3, v4  }
0x155: {  	v3 =	vperm.xlane v3, v0;
	_ =	sdelay $0x1  }
0x156: {  	v3 =	vadd.s32 v1, v3;
	_ =	sdelay $0x3  }
0x157: {  	s24 =	simm.s32 $0xEA00  }
0x158: {  	[tilespmem:s24], [sflag:$0x3] =	stream.indirect_vreg.gather [hbm4b:s1+s5], $0x80, v3, vm0, $0xb8;
	[tilespmem:$0x1E200] =	vst v63  }
.LBB2_11:
0x159: {  	p0 =	seq.s32 s10, $0x0  }
.Ltmp10:
0x15a: {  	_ = 	snop;
	(pc) =	sbr.rel @p0 .LBB2_18-.Ltmp10, $1  }
0x15b: {  	_ =	sdelay $0x3  }
.LBB2_12:
0x15c: {  	p1 =	sgt.u32 s8, $0x52  }
0x15d: {  	s10 =	simm.s32 @p1 $0x4  }
0x15e: {  	_ =	swait.ge @p1 [sflag:s10], $0x4000  }
0x15f: {  	[sflag:s10] =	ssyncset.done @p1 $0x0  }
0x160: {  	[sflag:s10] =	ssyncadd.s32 @p1 $0xFFFFC000  }
0x161: {  	_ =	swait.ge @p1 [sflag:s10], $0x3800  }
0x162: {  	[sflag:s10] =	ssyncset.done @p1 $0x0  }
0x163: {  	[sflag:s10] =	ssyncadd.s32 @p1 $0xFFFFC800  }
0x164: {  	_ =	swait.ge @p1 [sflag:s10], $0x4000  }
0x165: {  	[sflag:s10] =	ssyncset.done @p1 $0x0  }
0x166: {  	[sflag:s10] =	ssyncadd.s32 @p1 $0xFFFFC000  }
0x167: {  	p0 =	sgt.u32 s16, $0x2A;
	_ =	swait.ge @p1 [sflag:s10], $0x3800  }
0x168: {  	s9 =	sadd.s32 @!p0 s6, s9;
	[sflag:s10] =	ssyncset.done @p1 $0x0  }
0x169: {  	s9 =	smul.u32 @!p0 $0x78, s9;
	[sflag:s10] =	ssyncadd.s32 @p1 $0xFFFFC800;
	s10 =	simm.s32 @!p1 $0x4  }
0x16a: {  	_ =	swait.ge @!p1 [sflag:s10], $0x7800  }
0x16b: {  	s9 =	sadd.s32 @!p0 $0x1E00, s9;
	[sflag:s10] =	ssyncset.done @!p1 $0x0  }
0x16c: {  	s9 =	smin.u32 @!p0 s9, $0x29798;
	[sflag:s10] =	ssyncadd.s32 @!p1 $0xFFFF8800;
	p1 =	slt.u32 s8, $0x53  }
.Ltmp11:
0x16d: {  	s9 =	sshrl.u32 @!p0 s9, $0x3;
	(pc) =	sbr.rel @p1 .LBB2_16-.Ltmp11, $4  }
0x16e: {  	s11 =	simm.s32 @!p0 $0x0;
	s12 =	simm.s32 @!p0 $0x100;
	s10 =	sadd.s32 @!p0 s7, s9  }
0x16f: {  	[tilespmem:s12], [sflag:$0x2] =	stream.linear.gather @!p0 [hbm4b:s10+s11], $0x78, $0x38;
	[tilespmem:$0x1E200] =	vst v63  }
0x170: {  	s9 =	sadd.s32 @!p0 s3, s9;
	s8 =	simm.s32 $0x0;
	s10 =	simm.s32 @!p0 $0x178  }
0x171: {  	[tilespmem:s10], [sflag:$0x2] =	stream.linear.gather @!p0 [hbm4b:s9+s11], $0x78, $0x38;
	[tilespmem:$0x1E200] =	vst v63  }
0x172: {  	s9 =	sand.u32 $0x7800, s8;
	s24 =	sand.u32 $0x380, s8  }
0x173: {  	s8 =	sor.u32 s24, s9  }
0x174: {  	v10 =	vld [tilespmem:s8+$0x16A00]  }
0x175: {  	v11 =	vld [tilespmem:s8+$0x16A10]  }
0x176: {  	v12 =	vld [tilespmem:s8+$0x16A20]  }
0x177: {  	v13 =	vld [tilespmem:s8+$0x16A30]  }
0x178: {  	v14 =	vld [tilespmem:s8+$0x16A40]  }
0x179: {  	v15 =	vld [tilespmem:s8+$0x16A50]  }
0x17a: {  	v16 =	vld [tilespmem:s8+$0x16A60]  }
0x17b: {  	v18 =	vld [tilespmem:s8+$0x16A70]  }
0x17c: {  	v19 =	vld [tilespmem:s8+$0x16E00]  }
0x17d: {  	v9 =	vld [tilespmem:s8+$0x16E10]  }
0x17e: {  	v8 =	vld [tilespmem:s8+$0x16E20]  }
0x17f: {  	v7 =	vld [tilespmem:s8+$0x16E30]  }
0x180: {  	v6 =	vld [tilespmem:s8+$0x16E40]  }
0x181: {  	v5 =	vld [tilespmem:s8+$0x16E50]  }
0x182: {  	v4 =	vld [tilespmem:s8+$0x16E60]  }
0x183: {  	v3 =	vld [tilespmem:s8+$0x16E70]  }
0x184: {  	v17 =	vld [tilespmem:s8+$0xF200]  }
0x185: {  	v20 =	vld [tilespmem:s8+$0xF210]  }
0x186: {  	v21 =	vld [tilespmem:s8+$0xF220]  }
0x187: {  	v22 =	vld [tilespmem:s8+$0xF230]  }
0x188: {  	v23 =	vld [tilespmem:s8+$0xF240]  }
0x189: {  	v10 =	vadd.f32 v10, v17;
	v17 =	vld [tilespmem:s8+$0xF250]  }
0x18a: {  	v11 =	vadd.f32 v11, v20;
	v20 =	vld [tilespmem:s8+$0xF260]  }
0x18b: {  	v63 =	vld [tilespmem:s8+$0xF270];
	v12 =	vadd.f32 v12, v21;
	v10 =	vmul.f32 $5.000000000e-01, v10  }
0x18c: {  	v24 =	vld [tilespmem:s8+$0xF600];
	v22 =	vadd.f32 v13, v22;
	v11 =	vmul.f32 $5.000000000e-01, v11  }
0x18d: {  	v14 =	vadd.f32 v14, v23;
	v13 =	vld [tilespmem:s8+$0xF610];
	[tilespmem:s8+$0xF200] =	vst v10;
	v10 =	vmul.f32 $5.000000000e-01, v12  }
0x18e: {  	[tilespmem:s8+$0xF210] =	vst v11;
	v11 =	vmul.f32 $5.000000000e-01, v22;
	v12 =	vld [tilespmem:s8+$0xF620];
	v15 =	vadd.f32 v15, v17  }
0x18f: {  	v14 =	vmul.f32 $5.000000000e-01, v14;
	v16 =	vadd.f32 v16, v20;
	[tilespmem:s8+$0xF220] =	vst v10;
	v10 =	vld [tilespmem:s8+$0xF630]  }
0x190: {  	v18 =	vadd.f32 v18, v63;
	[tilespmem:s8+$0xF230] =	vst v11;
	v11 =	vld [tilespmem:s8+$0xF640];
	v17 =	vmul.f32 $5.000000000e-01, v15  }
0x191: {  	s10 =	simm.s32 $0x100;
	s9 =	simm.s32 $0x80;
	[tilespmem:s8+$0xF240] =	vst v14;
	v14 =	vld [tilespmem:s8+$0xF650];
	v15 =	vmul.f32 $5.000000000e-01, v16;
	v16 =	vadd.f32 v19, v24  }
.LBB2_14:
0x192: {  	s11 =	sand.u32 $0x7800, s10;
	s12 =	sand.u32 $0x380, s9;
	p1 =	sne.s32 s10, $0x7700;
	[tilespmem:s8+$0xF250] =	vst v17;
	v17 =	vmul.f32 $5.000000000e-01, v18;
	v9 =	vadd.f32 v9, v13;
	v13 =	vld [tilespmem:s8+$0xF660]  }
0x193: {  	s11 =	sor.u32 s12, s11;
	[tilespmem:s8+$0xF260] =	vst v15;
	v15 =	vmul.f32 $5.000000000e-01, v16;
	v8 =	vadd.f32 v8, v12;
	v12 =	vld [tilespmem:s8+$0xF670]  }
0x194: {  	v16 =	vld [tilespmem:s11+$0x16A00];
	[tilespmem:s8+$0xF270] =	vst v17;
	v9 =	vmul.f32 $5.000000000e-01, v9;
	v7 =	vadd.f32 v7, v10  }
0x195: {  	v10 =	vld [tilespmem:s11+$0x16A10];
	[tilespmem:s8+$0xF600] =	vst v15;
	v8 =	vmul.f32 $5.000000000e-01, v8;
	v6 =	vadd.f32 v6, v11  }
0x196: {  	v11 =	vld [tilespmem:s11+$0x16A20];
	[tilespmem:s8+$0xF610] =	vst v9;
	v7 =	vmul.f32 $5.000000000e-01, v7;
	v5 =	vadd.f32 v5, v14  }
0x197: {  	v14 =	vld [tilespmem:s11+$0x16A30];
	[tilespmem:s8+$0xF620] =	vst v8;
	v6 =	vmul.f32 $5.000000000e-01, v6;
	v4 =	vadd.f32 v4, v13  }
0x198: {  	v13 =	vld [tilespmem:s11+$0x16A40];
	[tilespmem:s8+$0xF630] =	vst v7;
	v5 =	vmul.f32 $5.000000000e-01, v5;
	v3 =	vadd.f32 v3, v12  }
0x199: {  	v12 =	vld [tilespmem:s11+$0x16A50];
	[tilespmem:s8+$0xF640] =	vst v6;
	v4 =	vmul.f32 $5.000000000e-01, v4  }
0x19a: {  	v15 =	vld [tilespmem:s11+$0x16A60];
	[tilespmem:s8+$0xF650] =	vst v5;
	v3 =	vmul.f32 $5.000000000e-01, v3  }
0x19b: {  	v18 =	vld [tilespmem:s11+$0x16A70];
	[tilespmem:s8+$0xF660] =	vst v4  }
0x19c: {  	v19 =	vld [tilespmem:s11+$0x16E00];
	[tilespmem:s8+$0xF670] =	vst v3;
	s8 =	smov.u32 s11  }
0x19d: {  	v9 =	vld [tilespmem:s8+$0x16E10]  }
0x19e: {  	v8 =	vld [tilespmem:s8+$0x16E20]  }
0x19f: {  	v7 =	vld [tilespmem:s8+$0x16E30]  }
0x1a0: {  	v6 =	vld [tilespmem:s8+$0x16E40]  }
0x1a1: {  	v5 =	vld [tilespmem:s8+$0x16E50]  }
0x1a2: {  	v4 =	vld [tilespmem:s8+$0x16E60]  }
0x1a3: {  	v3 =	vld [tilespmem:s8+$0x16E70]  }
0x1a4: {  	v17 =	vld [tilespmem:s8+$0xF200]  }
0x1a5: {  	v20 =	vld [tilespmem:s8+$0xF210]  }
0x1a6: {  	v21 =	vld [tilespmem:s8+$0xF220]  }
0x1a7: {  	v22 =	vld [tilespmem:s8+$0xF230]  }
0x1a8: {  	v23 =	vld [tilespmem:s8+$0xF240]  }
0x1a9: {  	v16 =	vadd.f32 v16, v17;
	v17 =	vld [tilespmem:s8+$0xF250]  }
0x1aa: {  	v10 =	vadd.f32 v10, v20;
	v20 =	vld [tilespmem:s8+$0xF260]  }
0x1ab: {  	v16 =	vmul.f32 $5.000000000e-01, v16;
	v11 =	vadd.f32 v11, v21;
	v21 =	vld [tilespmem:s8+$0xF270]  }
0x1ac: {  	v10 =	vmul.f32 $5.000000000e-01, v10;
	v14 =	vadd.f32 v14, v22;
	v22 =	vld [tilespmem:s8+$0xF600]  }
.Ltmp12:
0x1ad: {  	[tilespmem:s8+$0xF200] =	vst v16;
	v11 =	vmul.f32 $5.000000000e-01, v11;
	v16 =	vadd.f32 v13, v23;
	v13 =	vld [tilespmem:s8+$0xF610];
	(pc) =	sbr.rel @p1 .LBB2_14-.Ltmp12, $4  }
0x1ae: {  	[tilespmem:s8+$0xF210] =	vst v10;
	v14 =	vmul.f32 $5.000000000e-01, v14;
	v17 =	vadd.f32 v12, v17;
	v12 =	vld [tilespmem:s8+$0xF620]  }
0x1af: {  	[tilespmem:s8+$0xF220] =	vst v11;
	v16 =	vmul.f32 $5.000000000e-01, v16;
	v15 =	vadd.f32 v15, v20;
	v10 =	vld [tilespmem:s8+$0xF630]  }
0x1b0: {  	[tilespmem:s8+$0xF230] =	vst v14;
	v17 =	vmul.f32 $5.000000000e-01, v17;
	v18 =	vadd.f32 v18, v21;
	v11 =	vld [tilespmem:s8+$0xF640]  }
0x1b1: {  	s9 =	sadd.s32 $0x80, s9;
	s10 =	sadd.s32 $0x100, s10;
	[tilespmem:s8+$0xF240] =	vst v16;
	v15 =	vmul.f32 $5.000000000e-01, v15;
	v16 =	vadd.f32 v19, v22;
	v14 =	vld [tilespmem:s8+$0xF650]  }
0x1b2: {  	[tilespmem:s8+$0xF250] =	vst v17;
	v60 =	vmul.f32 $5.000000000e-01, v18;
	v9 =	vadd.f32 v9, v13;
	v61 =	vld [tilespmem:s8+$0xF660]  }
0x1b3: {  	v63 =	vld [tilespmem:s8+$0xF670];
	[tilespmem:s8+$0xF260] =	vst v15;
	v62 =	vmul.f32 $5.000000000e-01, v16;
	v8 =	vadd.f32 v8, v12  }
0x1b4: {  	[tilespmem:s8+$0xF270] =	vst v60;
	v9 =	vmul.f32 $5.000000000e-01, v9;
	v7 =	vadd.f32 v7, v10  }
0x1b5: {  	[tilespmem:s8+$0xF600] =	vst v62;
	v8 =	vmul.f32 $5.000000000e-01, v8;
	v6 =	vadd.f32 v6, v11  }
0x1b6: {  	[tilespmem:s8+$0xF610] =	vst v9;
	v7 =	vmul.f32 $5.000000000e-01, v7;
	v5 =	vadd.f32 v5, v14  }
0x1b7: {  	[tilespmem:s8+$0xF620] =	vst v8;
	v6 =	vmul.f32 $5.000000000e-01, v6;
	v4 =	vadd.f32 v4, v61  }
0x1b8: {  	v3 =	vadd.f32 v3, v63;
	[tilespmem:s8+$0xF630] =	vst v7;
	v5 =	vmul.f32 $5.000000000e-01, v5  }
0x1b9: {  	[tilespmem:s8+$0xF640] =	vst v6;
	v4 =	vmul.f32 $5.000000000e-01, v4  }
0x1ba: {  	v3 =	vmul.f32 $5.000000000e-01, v3;
	[tilespmem:s8+$0xF650] =	vst v5  }
0x1bb: {  	[tilespmem:s8+$0xF660] =	vst v4  }
0x1bc: {  	[tilespmem:s8+$0xF670] =	vst v3  }
.LBB2_16:
.Ltmp13:
0x1bd: {  	(pc) =	sbr.rel @p0 .LBB2_18-.Ltmp13, $4  }
0x1be: {  	_ = 	snop  }
0x1bf: {  	s8 =	sshll.u32 s17, $0x5  }
0x1c0: {  	s8 =	sadd.s32 s4, s8  }
0x1c1: {  	[hbm4b:s8+s5] =	stream.linear.scatter [tilespmem:s21], [sflag:$0x6], $0x7800, $0x38;
	[tilespmem:$0x1E200] =	vst v63  }
0x1c2: {  	_ =	swait.ge [sflag:s22], $0x7800  }
0x1c3: {  	[sflag:s22] =	ssyncset.done $0x0  }
0x1c4: {  	[sflag:s22] =	ssyncadd.s32 $0xFFFF8800  }
0x1c5: {  	_ =	swait.ge [sflag:s20], $0x78  }
0x1c6: {  	[sflag:s20] =	ssyncset.done $0x0  }
0x1c7: {  	[sflag:s20] =	ssyncadd.s32 $0xFFFFFF88  }
0x1c8: {  	_ =	swait.ge [sflag:s20], $0x78  }
0x1c9: {  	[sflag:s20] =	ssyncset.done $0x0  }
0x1ca: {  	[sflag:s20] =	ssyncadd.s32 $0xFFFFFF88  }
0x1cb: {  	v3 =	vld [tilespmem:$0x100];
	_ =	sdelay $0x4  }
0x1cc: {  	v4 =	vshll.u32 v3, $0x1  }
0x1cd: {  	v3 =	vand.u32 $0x7, v3;
	v4 =	vand.u32 $0xFFFFFFF0, v4  }
0x1ce: {  	v3 =	vor.u32 v3, v4  }
0x1cf: {  	v4 =	vperm.xlane v3, v0;
	_ =	sdelay $0x1  }
0x1d0: {  	v3 =	vperm.xlane v3, v2;
	v4 =	vadd.s32 v1, v4;
	_ =	sdelay $0x1  }
0x1d1: {  	v3 =	vadd.s32 v1, v3;
	_ =	sdelay $0x2  }
0x1d2: {  	[tilespmem:s21], [sflag:$0x4] =	stream.indirect_vreg.gather [hbm4b:s1+s5], $0x80, v4, vm0, $0xb8;
	[tilespmem:$0x1E200] =	vst v63  }
0x1d3: {  	s8 =	simm.s32 $0xFA00  }
0x1d4: {  	[tilespmem:s8], [sflag:$0x4] =	stream.indirect_vreg.gather [hbm4b:s1+s5], $0x80, v3, vm0, $0xb8;
	[tilespmem:$0x1E200] =	vst v63  }
0x1d5: {  	v3 =	vld [tilespmem:$0x110];
	_ =	sdelay $0x4  }
0x1d6: {  	v49 =	vshll.u32 v3, $0x1  }
0x1d7: {  	v3 =	vand.u32 $0x7, v3;
	v4 =	vand.u32 $0xFFFFFFF0, v49  }
0x1d8: {  	v3 =	vor.u32 v3, v4  }
0x1d9: {  	v4 =	vperm.xlane v3, v0;
	_ =	sdelay $0x1  }
0x1da: {  	v3 =	vperm.xlane v3, v2;
	v4 =	vadd.s32 v1, v4;
	_ =	sdelay $0x1  }
0x1db: {  	v3 =	vadd.s32 v1, v3;
	_ =	sdelay $0x1  }
0x1dc: {  	s17 =	simm.s32 $0x10200  }
0x1dd: {  	[tilespmem:s17], [sflag:$0x4] =	stream.indirect_vreg.gather [hbm4b:s1+s5], $0x80, v4, vm0, $0xb8;
	[tilespmem:$0x1E200] =	vst v63  }
0x1de: {  	s23 =	simm.s32 $0x10A00  }
0x1df: {  	[tilespmem:s23], [sflag:$0x4] =	stream.indirect_vreg.gather [hbm4b:s1+s5], $0x80, v3, vm0, $0xb8;
	[tilespmem:$0x1E200] =	vst v63  }
0x1e0: {  	v3 =	vld [tilespmem:$0x120];
	_ =	sdelay $0x4  }
0x1e1: {  	v50 =	vshll.u32 v3, $0x1  }
0x1e2: {  	v3 =	vand.u32 $0x7, v3;
	v4 =	vand.u32 $0xFFFFFFF0, v50  }
0x1e3: {  	v3 =	vor.u32 v3, v4  }
0x1e4: {  	v4 =	vperm.xlane v3, v0;
	_ =	sdelay $0x1  }
0x1e5: {  	v3 =	vperm.xlane v3, v2;
	v4 =	vadd.s32 v1, v4;
	_ =	sdelay $0x1  }
0x1e6: {  	v3 =	vadd.s32 v1, v3;
	_ =	sdelay $0x1  }
0x1e7: {  	s24 =	simm.s32 $0x11200  }
0x1e8: {  	[tilespmem:s24], [sflag:$0x4] =	stream.indirect_vreg.gather [hbm4b:s1+s5], $0x80, v4, vm0, $0xb8;
	[tilespmem:$0x1E200] =	vst v63  }
0x1e9: {  	s9 =	simm.s32 $0x11A00  }
0x1ea: {  	[tilespmem:s9], [sflag:$0x4] =	stream.indirect_vreg.gather [hbm4b:s1+s5], $0x80, v3, vm0, $0xb8;
	[tilespmem:$0x1E200] =	vst v63  }
0x1eb: {  	v3 =	vld [tilespmem:$0x130];
	_ =	sdelay $0x4  }
0x1ec: {  	v51 =	vshll.u32 v3, $0x1  }
0x1ed: {  	v3 =	vand.u32 $0x7, v3;
	v4 =	vand.u32 $0xFFFFFFF0, v51  }
0x1ee: {  	v3 =	vor.u32 v3, v4  }
0x1ef: {  	v4 =	vperm.xlane v3, v0;
	_ =	sdelay $0x1  }
0x1f0: {  	v3 =	vperm.xlane v3, v2;
	v4 =	vadd.s32 v1, v4;
	_ =	sdelay $0x1  }
0x1f1: {  	v3 =	vadd.s32 v1, v3;
	_ =	sdelay $0x1  }
0x1f2: {  	s10 =	simm.s32 $0x12200  }
0x1f3: {  	[tilespmem:s10], [sflag:$0x4] =	stream.indirect_vreg.gather [hbm4b:s1+s5], $0x80, v4, vm0, $0xb8;
	[tilespmem:$0x1E200] =	vst v63  }
0x1f4: {  	s11 =	simm.s32 $0x12A00  }
0x1f5: {  	[tilespmem:s11], [sflag:$0x4] =	stream.indirect_vreg.gather [hbm4b:s1+s5], $0x80, v3, vm0, $0xb8;
	[tilespmem:$0x1E200] =	vst v63  }
0x1f6: {  	v3 =	vld [tilespmem:$0x140];
	_ =	sdelay $0x4  }
0x1f7: {  	v52 =	vshll.u32 v3, $0x1  }
0x1f8: {  	v3 =	vand.u32 $0x7, v3;
	v4 =	vand.u32 $0xFFFFFFF0, v52  }
0x1f9: {  	v3 =	vor.u32 v3, v4  }
0x1fa: {  	v4 =	vperm.xlane v3, v0;
	_ =	sdelay $0x1  }
0x1fb: {  	v3 =	vperm.xlane v3, v2;
	v4 =	vadd.s32 v1, v4;
	_ =	sdelay $0x1  }
0x1fc: {  	v3 =	vadd.s32 v1, v3;
	_ =	sdelay $0x1  }
0x1fd: {  	s12 =	simm.s32 $0x13200  }
0x1fe: {  	[tilespmem:s12], [sflag:$0x4] =	stream.indirect_vreg.gather [hbm4b:s1+s5], $0x80, v4, vm0, $0xb8;
	[tilespmem:$0x1E200] =	vst v63  }
0x1ff: {  	s13 =	simm.s32 $0x13A00  }
0x200: {  	[tilespmem:s13], [sflag:$0x4] =	stream.indirect_vreg.gather [hbm4b:s1+s5], $0x80, v3, vm0, $0xb8;
	[tilespmem:$0x1E200] =	vst v63  }
0x201: {  	v3 =	vld [tilespmem:$0x150];
	_ =	sdelay $0x4  }
0x202: {  	v53 =	vshll.u32 v3, $0x1  }
0x203: {  	v3 =	vand.u32 $0x7, v3;
	v4 =	vand.u32 $0xFFFFFFF0, v53  }
0x204: {  	v3 =	vor.u32 v3, v4  }
0x205: {  	v4 =	vperm.xlane v3, v0;
	_ =	sdelay $0x1  }
0x206: {  	v3 =	vperm.xlane v3, v2;
	v4 =	vadd.s32 v1, v4;
	_ =	sdelay $0x1  }
0x207: {  	v3 =	vadd.s32 v1, v3;
	_ =	sdelay $0x1  }
0x208: {  	s14 =	simm.s32 $0x14200  }
0x209: {  	[tilespmem:s14], [sflag:$0x4] =	stream.indirect_vreg.gather [hbm4b:s1+s5], $0x80, v4, vm0, $0xb8;
	[tilespmem:$0x1E200] =	vst v63  }
0x20a: {  	s17 =	simm.s32 $0x14A00  }
0x20b: {  	[tilespmem:s17], [sflag:$0x4] =	stream.indirect_vreg.gather [hbm4b:s1+s5], $0x80, v3, vm0, $0xb8;
	[tilespmem:$0x1E200] =	vst v63  }
0x20c: {  	v3 =	vld [tilespmem:$0x160];
	_ =	sdelay $0x4  }
0x20d: {  	v54 =	vshll.u32 v3, $0x1  }
0x20e: {  	v3 =	vand.u32 $0x7, v3;
	v4 =	vand.u32 $0xFFFFFFF0, v54  }
0x20f: {  	v3 =	vor.u32 v3, v4  }
0x210: {  	v4 =	vperm.xlane v3, v0;
	_ =	sdelay $0x1  }
0x211: {  	v3 =	vperm.xlane v3, v2;
	v4 =	vadd.s32 v1, v4;
	_ =	sdelay $0x1  }
0x212: {  	v3 =	vadd.s32 v1, v3;
	_ =	sdelay $0x1  }
0x213: {  	s23 =	simm.s32 $0x15200  }
0x214: {  	[tilespmem:s23], [sflag:$0x4] =	stream.indirect_vreg.gather [hbm4b:s1+s5], $0x80, v4, vm0, $0xb8;
	[tilespmem:$0x1E200] =	vst v63  }
0x215: {  	s24 =	simm.s32 $0x15A00  }
0x216: {  	[tilespmem:s24], [sflag:$0x4] =	stream.indirect_vreg.gather [hbm4b:s1+s5], $0x80, v3, vm0, $0xb8;
	[tilespmem:$0x1E200] =	vst v63  }
0x217: {  	v3 =	vld.msk [tilespmem:$0x170], $0xff;
	_ =	sdelay $0x4  }
0x218: {  	v55 =	vshll.u32 v3, $0x1  }
0x219: {  	v3 =	vand.u32 $0x7, v3;
	v4 =	vand.u32 $0xFFFFFFF0, v55  }
0x21a: {  	v3 =	vor.u32 v3, v4  }
0x21b: {  	v3 =	vperm.xlane v3, v0;
	_ =	sdelay $0x1  }
0x21c: {  	v3 =	vadd.s32 v1, v3;
	_ =	sdelay $0x3  }
0x21d: {  	s9 =	simm.s32 $0x16200  }
0x21e: {  	[tilespmem:s9], [sflag:$0x4] =	stream.indirect_vreg.gather [hbm4b:s1+s5], $0x80, v3, vm0, $0xb8;
	[tilespmem:$0x1E200] =	vst v63  }
0x21f: {  	v3 =	vld [tilespmem:$0x178];
	_ =	sdelay $0x4  }
0x220: {  	v56 =	vshll.u32 v3, $0x1  }
0x221: {  	v3 =	vand.u32 $0x7, v3;
	v4 =	vand.u32 $0xFFFFFFF0, v56  }
0x222: {  	v3 =	vor.u32 v3, v4  }
0x223: {  	v4 =	vperm.xlane v3, v0;
	_ =	sdelay $0x1  }
0x224: {  	v3 =	vperm.xlane v3, v2;
	v4 =	vadd.s32 v1, v4;
	_ =	sdelay $0x1  }
0x225: {  	v3 =	vadd.s32 v1, v3;
	_ =	sdelay $0x1  }
0x226: {  	s10 =	simm.s32 $0x16A00  }
0x227: {  	[tilespmem:s10], [sflag:$0x4] =	stream.indirect_vreg.gather [hbm4b:s1+s5], $0x80, v4, vm0, $0xb8;
	[tilespmem:$0x1E200] =	vst v63  }
0x228: {  	s11 =	simm.s32 $0x17200  }
0x229: {  	[tilespmem:s11], [sflag:$0x4] =	stream.indirect_vreg.gather [hbm4b:s1+s5], $0x80, v3, vm0, $0xb8;
	[tilespmem:$0x1E200] =	vst v63  }
0x22a: {  	v3 =	vld [tilespmem:$0x188];
	_ =	sdelay $0x4  }
0x22b: {  	v57 =	vshll.u32 v3, $0x1  }
0x22c: {  	v3 =	vand.u32 $0x7, v3;
	v4 =	vand.u32 $0xFFFFFFF0, v57  }
0x22d: {  	v3 =	vor.u32 v3, v4  }
0x22e: {  	v4 =	vperm.xlane v3, v0;
	_ =	sdelay $0x1  }
0x22f: {  	v3 =	vperm.xlane v3, v2;
	v4 =	vadd.s32 v1, v4;
	_ =	sdelay $0x1  }
0x230: {  	v3 =	vadd.s32 v1, v3;
	_ =	sdelay $0x1  }
0x231: {  	s12 =	simm.s32 $0x17A00  }
0x232: {  	[tilespmem:s12], [sflag:$0x4] =	stream.indirect_vreg.gather [hbm4b:s1+s5], $0x80, v4, vm0, $0xb8;
	[tilespmem:$0x1E200] =	vst v63  }
0x233: {  	s13 =	simm.s32 $0x18200  }
0x234: {  	[tilespmem:s13], [sflag:$0x4] =	stream.indirect_vreg.gather [hbm4b:s1+s5], $0x80, v3, vm0, $0xb8;
	[tilespmem:$0x1E200] =	vst v63  }
0x235: {  	v3 =	vld [tilespmem:$0x198];
	_ =	sdelay $0x4  }
0x236: {  	v58 =	vshll.u32 v3, $0x1  }
0x237: {  	v3 =	vand.u32 $0x7, v3;
	v4 =	vand.u32 $0xFFFFFFF0, v58  }
0x238: {  	v3 =	vor.u32 v3, v4  }
0x239: {  	v4 =	vperm.xlane v3, v0;
	_ =	sdelay $0x1  }
0x23a: {  	v3 =	vperm.xlane v3, v2;
	v4 =	vadd.s32 v1, v4;
	_ =	sdelay $0x1  }
0x23b: {  	v3 =	vadd.s32 v1, v3;
	_ =	sdelay $0x1  }
0x23c: {  	s14 =	simm.s32 $0x18A00  }
0x23d: {  	[tilespmem:s14], [sflag:$0x4] =	stream.indirect_vreg.gather [hbm4b:s1+s5], $0x80, v4, vm0, $0xb8;
	[tilespmem:$0x1E200] =	vst v63  }
0x23e: {  	s17 =	simm.s32 $0x19200  }
0x23f: {  	[tilespmem:s17], [sflag:$0x4] =	stream.indirect_vreg.gather [hbm4b:s1+s5], $0x80, v3, vm0, $0xb8;
	[tilespmem:$0x1E200] =	vst v63  }
0x240: {  	v3 =	vld [tilespmem:$0x1A8];
	_ =	sdelay $0x4  }
0x241: {  	v59 =	vshll.u32 v3, $0x1  }
0x242: {  	v3 =	vand.u32 $0x7, v3;
	v4 =	vand.u32 $0xFFFFFFF0, v59  }
0x243: {  	v3 =	vor.u32 v3, v4  }
0x244: {  	v4 =	vperm.xlane v3, v0;
	_ =	sdelay $0x1  }
0x245: {  	v3 =	vperm.xlane v3, v2;
	v4 =	vadd.s32 v1, v4;
	_ =	sdelay $0x1  }
0x246: {  	v3 =	vadd.s32 v1, v3;
	_ =	sdelay $0x1  }
0x247: {  	s23 =	simm.s32 $0x19A00  }
0x248: {  	[tilespmem:s23], [sflag:$0x4] =	stream.indirect_vreg.gather [hbm4b:s1+s5], $0x80, v4, vm0, $0xb8;
	[tilespmem:$0x1E200] =	vst v63  }
0x249: {  	s24 =	simm.s32 $0x1A200  }
0x24a: {  	[tilespmem:s24], [sflag:$0x4] =	stream.indirect_vreg.gather [hbm4b:s1+s5], $0x80, v3, vm0, $0xb8;
	[tilespmem:$0x1E200] =	vst v63  }
0x24b: {  	v3 =	vld [tilespmem:$0x1B8];
	_ =	sdelay $0x4  }
0x24c: {  	v60 =	vshll.u32 v3, $0x1  }
0x24d: {  	v3 =	vand.u32 $0x7, v3;
	v4 =	vand.u32 $0xFFFFFFF0, v60  }
0x24e: {  	v3 =	vor.u32 v3, v4  }
0x24f: {  	v4 =	vperm.xlane v3, v0;
	_ =	sdelay $0x1  }
0x250: {  	v3 =	vperm.xlane v3, v2;
	v4 =	vadd.s32 v1, v4;
	_ =	sdelay $0x1  }
0x251: {  	v3 =	vadd.s32 v1, v3;
	_ =	sdelay $0x2  }
0x252: {  	[tilespmem:s25], [sflag:$0x4] =	stream.indirect_vreg.gather [hbm4b:s1+s5], $0x80, v4, vm0, $0xb8;
	[tilespmem:$0x1E200] =	vst v63  }
0x253: {  	_ = 	snop  }
0x254: {  	[tilespmem:s26], [sflag:$0x4] =	stream.indirect_vreg.gather [hbm4b:s1+s5], $0x80, v3, vm0, $0xb8;
	[tilespmem:$0x1E200] =	vst v63  }
0x255: {  	v3 =	vld [tilespmem:$0x1C8];
	_ =	sdelay $0x4  }
0x256: {  	v61 =	vshll.u32 v3, $0x1  }
0x257: {  	v3 =	vand.u32 $0x7, v3;
	v4 =	vand.u32 $0xFFFFFFF0, v61  }
0x258: {  	v3 =	vor.u32 v3, v4  }
0x259: {  	v4 =	vperm.xlane v3, v0;
	_ =	sdelay $0x1  }
0x25a: {  	v3 =	vperm.xlane v3, v2;
	v4 =	vadd.s32 v1, v4;
	_ =	sdelay $0x1  }
0x25b: {  	v3 =	vadd.s32 v1, v3;
	_ =	sdelay $0x2  }
0x25c: {  	[tilespmem:s28], [sflag:$0x4] =	stream.indirect_vreg.gather [hbm4b:s1+s5], $0x80, v4, vm0, $0xb8;
	[tilespmem:$0x1E200] =	vst v63  }
0x25d: {  	_ = 	snop  }
0x25e: {  	[tilespmem:s29], [sflag:$0x4] =	stream.indirect_vreg.gather [hbm4b:s1+s5], $0x80, v3, vm0, $0xb8;
	[tilespmem:$0x1E200] =	vst v63  }
0x25f: {  	v3 =	vld [tilespmem:$0x1D8];
	_ =	sdelay $0x4  }
0x260: {  	v62 =	vshll.u32 v3, $0x1  }
0x261: {  	v3 =	vand.u32 $0x7, v3;
	v4 =	vand.u32 $0xFFFFFFF0, v62  }
0x262: {  	v3 =	vor.u32 v3, v4  }
0x263: {  	v4 =	vperm.xlane v3, v0;
	_ =	sdelay $0x1  }
0x264: {  	v3 =	vperm.xlane v3, v2;
	v4 =	vadd.s32 v1, v4;
	_ =	sdelay $0x1  }
0x265: {  	v3 =	vadd.s32 v1, v3;
	_ =	sdelay $0x2  }
0x266: {  	[tilespmem:s30], [sflag:$0x4] =	stream.indirect_vreg.gather [hbm4b:s1+s5], $0x80, v4, vm0, $0xb8;
	[tilespmem:$0x1E200] =	vst v63  }
0x267: {  	_ = 	snop  }
0x268: {  	[tilespmem:s31], [sflag:$0x4] =	stream.indirect_vreg.gather [hbm4b:s1+s5], $0x80, v3, vm0, $0xb8;
	[tilespmem:$0x1E200] =	vst v63  }
0x269: {  	v3 =	vld.msk [tilespmem:$0x1E8], $0xff;
	_ =	sdelay $0x4  }
0x26a: {  	v63 =	vshll.u32 v3, $0x1  }
0x26b: {  	v3 =	vand.u32 $0x7, v3;
	v4 =	vand.u32 $0xFFFFFFF0, v63  }
0x26c: {  	v3 =	vor.u32 v3, v4  }
0x26d: {  	v3 =	vperm.xlane v3, v0;
	_ =	sdelay $0x1  }
0x26e: {  	v3 =	vadd.s32 v1, v3  }
.Ltmp14:
0x26f: {  	_ = 	snop;
	(pc) =	sbr.rel .LBB2_18-.Ltmp14, $2  }
0x270: {  	_ =	sdelay $0x2  }
0x271: {  	[tilespmem:s2], [sflag:$0x4] =	stream.indirect_vreg.gather [hbm4b:s1+s5], $0x80, v3, vm0, $0xb8;
	[tilespmem:$0x1E200] =	vst v63  }
.LBB2_20:
0x272: {  	_ =	sfence.sel $0x180000  }
0x273: {  	[bflag:$0x0] =	sbarrier.arrive $0xFFFF  }
0x274: {  	_ =	strace $0x90000047  }
0x275: {  	s0 =	stileid.u32;
	[bflag:$0x2] =	sbarrier.arrive $0xFFFF  }
0x276: {  	p0 =	sne.s32 s0, $0x0;
	s0 =	rddreg [dreg:$0x3]  }
0x277: {  	s0 =	sadd.s32 @!p0 $0x100000, s0  }
0x278: {  	[sflag:s0] =	ssyncadd.tile.s32 @!p0 $0x1;
	_ =	shalt  }
.Lfunc_end2:
_tile_overlayer_lowered:
.L_overlay_start_2:
0x279: {  	(tag) =	ssettag $0x2  }
0x27a: {  	s0 =	rddreg [dreg:$0x0];
	s2 =	stileid.u32  }
0x27b: {  	s1 =	rddreg [dreg:$0x1];
	p0 =	sne.s32 s2, $0x0  }
0x27c: {  	s3 =	rddreg [dreg:$0x2];
	[bflag:$0x3] =	sbarrier.arrive $0xFFFF;
	s2 =	simm.s32 @!p0 $0x1C07  }
0x27d: {  	[timem:s3], [sflag:s2] =	dma.local @!p0 [hbm:s0], s1  }
0x27e: {  	s0 =	simm.s32 @!p0 $0x7  }
0x27f: {  	_ =	swait.ge @!p0 [sflag:s0], s1  }
0x280: {  	s1 =	ssub.s32 @!p0 $0x0, s1;
	[sflag:s0] =	ssyncset.done @!p0 $0x0  }
0x281: {  	[sflag:s0] =	ssyncadd.s32 @!p0 s1  }
0x282: {  	[bflag:$0x3] =	sbarrier.arrive $0xFFFF  }
0x283: {  	_ =	shalt  }

</sc_bundles>
